<compile_context>
chip_gen: v7x
topology: tpu7x:2x2x1
jax: 0.10.2.dev20260603
libtpu: 0.0.44.dev20260713+nightly
codegen_flags: <defaults>
</compile_context>

<pallas_src>
import functools

import jax
import jax.numpy as jnp
from jax import lax
from jax.experimental import pallas as pl
from jax.experimental.pallas import tpu as pltpu
from jax.experimental.pallas import tpu_sc as plsc

_NUM_CLASS = 1000
_C, _H, _W = 3, 256, 128
_BATCH = 256
_R = _C * _H
_NC, _NS = 2, 16
_NW = _NC * _NS
_ROWS_PER_W = _BATCH // _NW
_HB = 384
_BPL = _R // _HB
_G = _ROWS_PER_W * _BPL
_NB = 2
_LANES = 16

_mesh = plsc.VectorSubcoreMesh(core_axis_name="c", subcore_axis_name="s")


@functools.partial(
    pl.kernel,
    mesh=_mesh,
    out_type=jax.ShapeDtypeStruct((_BATCH, _R, _W), jnp.float32),
    scratch_types=(
        [pltpu.VMEM((_LANES,), jnp.int32)]
        + [pltpu.VMEM((_HB, _W), jnp.float32) for _ in range(_NB)]
        + [pltpu.SemaphoreType.DMA for _ in range(2 * _NB)]
    ),
)
def _gather_rows(tbl_hbm, lab_hbm, out_hbm, lab_v, *bufs_and_sems):
    bufs = bufs_and_sems[:_NB]
    sgs = bufs_and_sems[_NB:2 * _NB]
    sws = bufs_and_sems[2 * _NB:]

    wid = lax.axis_index("s") * _NC + lax.axis_index("c")
    lab_base = wid * _ROWS_PER_W

    pltpu.sync_copy(lab_hbm.at[pl.ds(lab_base, _ROWS_PER_W)],
                    lab_v.at[pl.ds(0, _ROWS_PER_W)])
    labs = lab_v[...]
    lab_s = [labs[t] for t in range(_ROWS_PER_W)]

    def start_gather(g):
        t, h = g // _BPL, (g % _BPL) * _HB
        return pltpu.async_copy(
            tbl_hbm.at[lab_s[t], pl.ds(h, _HB)],
            bufs[g % _NB], sgs[g % _NB])

    def start_write(g):
        t, h = g // _BPL, (g % _BPL) * _HB
        return pltpu.async_copy(
            bufs[g % _NB],
            out_hbm.at[lab_base + t, pl.ds(h, _HB)],
            sws[g % _NB])

    hw = [None] * _G
    hg = [None] * _G
    for g in range(_NB - 1):
        hg[g] = start_gather(g)
    for g in range(_G):
        hg[g].wait()
        if g + _NB - 1 < _G:
            if g >= 1:
                hw[g - 1].wait()
            hg[g + _NB - 1] = start_gather(g + _NB - 1)
        hw[g] = start_write(g)
    for g in range(_G - _NB, _G):
        hw[g].wait()


def kernel(label, learnable_person_info):
    tbl = learnable_person_info.reshape(_NUM_CLASS, _R, _W)
    out = _gather_rows(tbl, label)
    return out.reshape(_BATCH, _C, _H, _W)

# --- scband reference (transcript-rebuilt; emitter-appended) ---
"""Pipeline reference for scband-cross-position-sample-35338990912052 (READ-ONLY COPY).

The authoritative reference and input builder live on the scoring server;
editing this copy changes nothing except your own understanding.
"""

import jax, jax.numpy as jnp
import numpy as np

NUM_CLASS = 1000
C, H, W = 3, 256, 128
BATCH = 256


def setup_inputs(seed: int = 0) -> dict:
    key = jax.random.key(seed)
    k1, k2 = jax.random.split(key)
    label = jax.random.randint(k1, (BATCH,), 0, NUM_CLASS, dtype=jnp.int32)
    # learned parameter: per-class image-shaped embedding, init normal(std=0.02)
    learnable_person_info = 0.02 * jax.random.normal(k2, (NUM_CLASS, C, H, W), dtype=jnp.float32)
    return {"label": label, "learnable_person_info": learnable_person_info}


def reference(label, learnable_person_info):
    # domain_info is None branch: plain embedding gather over the class table
    cls_ctx = jnp.take(learnable_person_info, label, axis=0)
    cross_camera_sample = cls_ctx
    return cross_camera_sample

if __name__ == "__main__":
    import jax
    _d = setup_inputs()
    print(jax.jit(kernel)(*tuple(_d.values())))

</pallas_src>

<mosaic_0001>
#map = affine_map<(d0, d1) -> (0, 0, 0)>
#map1 = affine_map<(d0, d1) -> (0)>
module attributes {stable_mosaic.version = 14 : i64} {
  func.func @_gather_rows(%arg0: i32, %arg1: i32, %arg2: memref<1000x768x128xf32, #tpu.memory_space<hbm>>, %arg3: memref<256xi32, #tpu.memory_space<hbm>>, %arg4: memref<256x768x128xf32, #tpu.memory_space<hbm>>, %arg5: memref<16xi32, #tpu.memory_space<vmem>>, %arg6: memref<384x128xf32, #tpu.memory_space<vmem>>, %arg7: memref<384x128xf32, #tpu.memory_space<vmem>>, %arg8: memref<!tpu.dma_semaphore, #tpu.memory_space<semaphore_mem>>, %arg9: memref<!tpu.dma_semaphore, #tpu.memory_space<semaphore_mem>>, %arg10: memref<!tpu.dma_semaphore, #tpu.memory_space<semaphore_mem>>, %arg11: memref<!tpu.dma_semaphore, #tpu.memory_space<semaphore_mem>>) attributes {dimension_semantics = [#tpu.dimension_semantics<core_parallel>, #tpu.dimension_semantics<subcore_parallel>], iteration_bounds = array<i64: 2, 16>, scalar_prefetch = 0 : i64, scratch_operands = 7 : i64, tpu.core_type = #tpu.core_type<sc_vector_subcore>, window_params = [{transform_indices = #map}, {transform_indices = #map1}, {transform_indices = #map}]} {
    %mul3A = arith.constant 2 : i32
    %mul3A_0 = arith.muli %arg1, %mul3A : i32
    %add3A = arith.addi %mul3A_0, %arg0 : i32
    %mul3A_1 = arith.constant 8 : i32
    %mul3A_2 = arith.muli %add3A, %mul3A_1 : i32
    "tpu.region"() ({
      %run_scoped3A = tpu.sem_alloc : memref<!tpu.dma_semaphore, #tpu.memory_space<semaphore_mem>>
      %dma_start3A_561 = arith.constant 0 : i32
      %dma_start3A_562 = tpu.memref_slice %arg5[%dma_start3A_561] : memref<16xi32, #tpu.memory_space<vmem>> -> memref<8xi32, #tpu.memory_space<vmem>>
      %dma_start3A_563 = tpu.memref_slice %arg3[%mul3A_2] : memref<256xi32, #tpu.memory_space<hbm>> -> memref<8xi32, #tpu.memory_space<hbm>>
      %dma_start3A_564 = arith.constant 0 : i32
      %dma_start3A_565 = tpu.memref_slice %arg5[%dma_start3A_564] : memref<16xi32, #tpu.memory_space<vmem>> -> memref<8xi32, #tpu.memory_space<vmem>>
      %dma_start3A_566 = tpu.memref_slice %arg3[%mul3A_2] : memref<256xi32, #tpu.memory_space<hbm>> -> memref<8xi32, #tpu.memory_space<hbm>>
      tpu.enqueue_dma source(%dma_start3A_566 : memref<8xi32, #tpu.memory_space<hbm>>) target(%dma_start3A_565 : memref<8xi32, #tpu.memory_space<vmem>>) target_semaphore(%run_scoped3A : memref<!tpu.dma_semaphore, #tpu.memory_space<semaphore_mem>>)
      %dma_wait3A_567 = arith.constant 0 : i32
      %dma_wait3A_568 = tpu.memref_slice %arg5[%dma_wait3A_567] : memref<16xi32, #tpu.memory_space<vmem>> -> memref<8xi32, #tpu.memory_space<vmem>>
      %dma_wait3A_569 = tpu.memref_slice %arg3[%mul3A_2] : memref<256xi32, #tpu.memory_space<hbm>> -> memref<8xi32, #tpu.memory_space<hbm>>
      %dma_wait3A_570 = arith.constant 0 : i32
      %dma_wait3A_571 = tpu.memref_slice %arg5[%dma_wait3A_570] : memref<16xi32, #tpu.memory_space<vmem>> -> memref<8xi32, #tpu.memory_space<vmem>>
      %dma_wait3A_572 = tpu.memref_slice %arg3[%mul3A_2] : memref<256xi32, #tpu.memory_space<hbm>> -> memref<8xi32, #tpu.memory_space<hbm>>
      tpu.wait_dma2 semaphore(%run_scoped3A : memref<!tpu.dma_semaphore, #tpu.memory_space<semaphore_mem>>) src(%dma_wait3A_572 : memref<8xi32, #tpu.memory_space<hbm>>) dst(%dma_wait3A_571 : memref<8xi32, #tpu.memory_space<vmem>>)
      tpu.yield
    }) : () -> ()
    %get3A = arith.constant 0 : index
    %get3A_3 = tpu.vector_load %arg5[%get3A] {strides = array<i32>} : memref<16xi32, #tpu.memory_space<vmem>>, vector<16xi32>,
    %get3A_4 = vector.shape_cast %get3A_3 : vector<16xi32> to vector<16xi32>
    %slice3A = vector.extract_strided_slice %get3A_4 {offsets = [0], sizes = [1], strides = [1]} : vector<16xi32> to vector<1xi32>
    %squeeze3A = vector.extract %slice3A[0] : i32 from vector<1xi32>
    %slice3A_5 = vector.extract_strided_slice %get3A_4 {offsets = [1], sizes = [1], strides = [1]} : vector<16xi32> to vector<1xi32>
    %squeeze3A_6 = vector.extract %slice3A_5[0] : i32 from vector<1xi32>
    %slice3A_7 = vector.extract_strided_slice %get3A_4 {offsets = [2], sizes = [1], strides = [1]} : vector<16xi32> to vector<1xi32>
    %squeeze3A_8 = vector.extract %slice3A_7[0] : i32 from vector<1xi32>
    %slice3A_9 = vector.extract_strided_slice %get3A_4 {offsets = [3], sizes = [1], strides = [1]} : vector<16xi32> to vector<1xi32>
    %squeeze3A_10 = vector.extract %slice3A_9[0] : i32 from vector<1xi32>
    %slice3A_11 = vector.extract_strided_slice %get3A_4 {offsets = [4], sizes = [1], strides = [1]} : vector<16xi32> to vector<1xi32>
    %squeeze3A_12 = vector.extract %slice3A_11[0] : i32 from vector<1xi32>
    %slice3A_13 = vector.extract_strided_slice %get3A_4 {offsets = [5], sizes = [1], strides = [1]} : vector<16xi32> to vector<1xi32>
    %squeeze3A_14 = vector.extract %slice3A_13[0] : i32 from vector<1xi32>
    %slice3A_15 = vector.extract_strided_slice %get3A_4 {offsets = [6], sizes = [1], strides = [1]} : vector<16xi32> to vector<1xi32>
    %squeeze3A_16 = vector.extract %slice3A_15[0] : i32 from vector<1xi32>
    %slice3A_17 = vector.extract_strided_slice %get3A_4 {offsets = [7], sizes = [1], strides = [1]} : vector<16xi32> to vector<1xi32>
    %squeeze3A_18 = vector.extract %slice3A_17[0] : i32 from vector<1xi32>
    %dma_start3A = arith.constant 0 : i32
    %dma_start3A_19 = arith.constant 0 : i32
    %dma_start3A_20 = tpu.memref_slice %arg2[%squeeze3A, %dma_start3A, %dma_start3A_19] : memref<1000x768x128xf32, #tpu.memory_space<hbm>> -> memref<1x384x128xf32, #tpu.memory_space<hbm>>
    %dma_start3A_21 = tpu.memref_squeeze %dma_start3A_20 : memref<1x384x128xf32, #tpu.memory_space<hbm>> -> memref<384x128xf32, #tpu.memory_space<hbm>>
    %dma_start3A_22 = arith.constant 0 : i32
    %dma_start3A_23 = arith.constant 0 : i32
    %dma_start3A_24 = tpu.memref_slice %arg2[%squeeze3A, %dma_start3A_22, %dma_start3A_23] : memref<1000x768x128xf32, #tpu.memory_space<hbm>> -> memref<1x384x128xf32, #tpu.memory_space<hbm>>
    %dma_start3A_25 = tpu.memref_squeeze %dma_start3A_24 : memref<1x384x128xf32, #tpu.memory_space<hbm>> -> memref<384x128xf32, #tpu.memory_space<hbm>>
    tpu.enqueue_dma source(%dma_start3A_25 : memref<384x128xf32, #tpu.memory_space<hbm>>) target(%arg6 : memref<384x128xf32, #tpu.memory_space<vmem>>) target_semaphore(%arg8 : memref<!tpu.dma_semaphore, #tpu.memory_space<semaphore_mem>>)
    %dma_wait3A = arith.constant 0 : i32
    %dma_wait3A_26 = arith.constant 0 : i32
    %dma_wait3A_27 = tpu.memref_slice %arg2[%squeeze3A, %dma_wait3A, %dma_wait3A_26] : memref<1000x768x128xf32, #tpu.memory_space<hbm>> -> memref<1x384x128xf32, #tpu.memory_space<hbm>>
    %dma_wait3A_28 = tpu.memref_squeeze %dma_wait3A_27 : memref<1x384x128xf32, #tpu.memory_space<hbm>> -> memref<384x128xf32, #tpu.memory_space<hbm>>
    %dma_wait3A_29 = arith.constant 0 : i32
    %dma_wait3A_30 = arith.constant 0 : i32
    %dma_wait3A_31 = tpu.memref_slice %arg2[%squeeze3A, %dma_wait3A_29, %dma_wait3A_30] : memref<1000x768x128xf32, #tpu.memory_space<hbm>> -> memref<1x384x128xf32, #tpu.memory_space<hbm>>
    %dma_wait3A_32 = tpu.memref_squeeze %dma_wait3A_31 : memref<1x384x128xf32, #tpu.memory_space<hbm>> -> memref<384x128xf32, #tpu.memory_space<hbm>>
    tpu.wait_dma2 semaphore(%arg8 : memref<!tpu.dma_semaphore, #tpu.memory_space<semaphore_mem>>) src(%dma_wait3A_32 : memref<384x128xf32, #tpu.memory_space<hbm>>) dst(%arg6 : memref<384x128xf32, #tpu.memory_space<vmem>>)
    %dma_start3A_33 = arith.constant 384 : i32
    %dma_start3A_34 = arith.constant 0 : i32
    %dma_start3A_35 = tpu.memref_slice %arg2[%squeeze3A, %dma_start3A_33, %dma_start3A_34] : memref<1000x768x128xf32, #tpu.memory_space<hbm>> -> memref<1x384x128xf32, #tpu.memory_space<hbm>>
    %dma_start3A_36 = tpu.memref_squeeze %dma_start3A_35 : memref<1x384x128xf32, #tpu.memory_space<hbm>> -> memref<384x128xf32, #tpu.memory_space<hbm>>
    %dma_start3A_37 = arith.constant 384 : i32
    %dma_start3A_38 = arith.constant 0 : i32
    %dma_start3A_39 = tpu.memref_slice %arg2[%squeeze3A, %dma_start3A_37, %dma_start3A_38] : memref<1000x768x128xf32, #tpu.memory_space<hbm>> -> memref<1x384x128xf32, #tpu.memory_space<hbm>>
    %dma_start3A_40 = tpu.memref_squeeze %dma_start3A_39 : memref<1x384x128xf32, #tpu.memory_space<hbm>> -> memref<384x128xf32, #tpu.memory_space<hbm>>
    tpu.enqueue_dma source(%dma_start3A_40 : memref<384x128xf32, #tpu.memory_space<hbm>>) target(%arg7 : memref<384x128xf32, #tpu.memory_space<vmem>>) target_semaphore(%arg9 : memref<!tpu.dma_semaphore, #tpu.memory_space<semaphore_mem>>)
    %add3A_41 = arith.constant 0 : i32
    %add3A_42 = arith.addi %mul3A_2, %add3A_41 : i32
    %dma_start3A_43 = arith.constant 0 : i32
    %dma_start3A_44 = arith.constant 0 : i32
    %dma_start3A_45 = tpu.memref_slice %arg4[%add3A_42, %dma_start3A_43, %dma_start3A_44] : memref<256x768x128xf32, #tpu.memory_space<hbm>> -> memref<1x384x128xf32, #tpu.memory_space<hbm>>
    %dma_start3A_46 = tpu.memref_squeeze %dma_start3A_45 : memref<1x384x128xf32, #tpu.memory_space<hbm>> -> memref<384x128xf32, #tpu.memory_space<hbm>>
    %dma_start3A_47 = arith.constant 0 : i32
    %dma_start3A_48 = arith.constant 0 : i32
    %dma_start3A_49 = tpu.memref_slice %arg4[%add3A_42, %dma_start3A_47, %dma_start3A_48] : memref<256x768x128xf32, #tpu.memory_space<hbm>> -> memref<1x384x128xf32, #tpu.memory_space<hbm>>
    %dma_start3A_50 = tpu.memref_squeeze %dma_start3A_49 : memref<1x384x128xf32, #tpu.memory_space<hbm>> -> memref<384x128xf32, #tpu.memory_space<hbm>>
    tpu.enqueue_dma source(%arg6 : memref<384x128xf32, #tpu.memory_space<vmem>>) target(%dma_start3A_50 : memref<384x128xf32, #tpu.memory_space<hbm>>) target_semaphore(%arg10 : memref<!tpu.dma_semaphore, #tpu.memory_space<semaphore_mem>>)
    %dma_wait3A_51 = arith.constant 384 : i32
    %dma_wait3A_52 = arith.constant 0 : i32
    %dma_wait3A_53 = tpu.memref_slice %arg2[%squeeze3A, %dma_wait3A_51, %dma_wait3A_52] : memref<1000x768x128xf32, #tpu.memory_space<hbm>> -> memref<1x384x128xf32, #tpu.memory_space<hbm>>
    %dma_wait3A_54 = tpu.memref_squeeze %dma_wait3A_53 : memref<1x384x128xf32, #tpu.memory_space<hbm>> -> memref<384x128xf32, #tpu.memory_space<hbm>>
    %dma_wait3A_55 = arith.constant 384 : i32
    %dma_wait3A_56 = arith.constant 0 : i32
    %dma_wait3A_57 = tpu.memref_slice %arg2[%squeeze3A, %dma_wait3A_55, %dma_wait3A_56] : memref<1000x768x128xf32, #tpu.memory_space<hbm>> -> memref<1x384x128xf32, #tpu.memory_space<hbm>>
    %dma_wait3A_58 = tpu.memref_squeeze %dma_wait3A_57 : memref<1x384x128xf32, #tpu.memory_space<hbm>> -> memref<384x128xf32, #tpu.memory_space<hbm>>
    tpu.wait_dma2 semaphore(%arg9 : memref<!tpu.dma_semaphore, #tpu.memory_space<semaphore_mem>>) src(%dma_wait3A_58 : memref<384x128xf32, #tpu.memory_space<hbm>>) dst(%arg7 : memref<384x128xf32, #tpu.memory_space<vmem>>)
    %dma_wait3A_59 = arith.constant 0 : i32
    %dma_wait3A_60 = arith.constant 0 : i32
    %dma_wait3A_61 = tpu.memref_slice %arg4[%add3A_42, %dma_wait3A_59, %dma_wait3A_60] : memref<256x768x128xf32, #tpu.memory_space<hbm>> -> memref<1x384x128xf32, #tpu.memory_space<hbm>>
    %dma_wait3A_62 = tpu.memref_squeeze %dma_wait3A_61 : memref<1x384x128xf32, #tpu.memory_space<hbm>> -> memref<384x128xf32, #tpu.memory_space<hbm>>
    %dma_wait3A_63 = arith.constant 0 : i32
    %dma_wait3A_64 = arith.constant 0 : i32
    %dma_wait3A_65 = tpu.memref_slice %arg4[%add3A_42, %dma_wait3A_63, %dma_wait3A_64] : memref<256x768x128xf32, #tpu.memory_space<hbm>> -> memref<1x384x128xf32, #tpu.memory_space<hbm>>
    %dma_wait3A_66 = tpu.memref_squeeze %dma_wait3A_65 : memref<1x384x128xf32, #tpu.memory_space<hbm>> -> memref<384x128xf32, #tpu.memory_space<hbm>>
    tpu.wait_dma2 semaphore(%arg10 : memref<!tpu.dma_semaphore, #tpu.memory_space<semaphore_mem>>) src(%arg6 : memref<384x128xf32, #tpu.memory_space<vmem>>) dst(%dma_wait3A_66 : memref<384x128xf32, #tpu.memory_space<hbm>>)
    %dma_start3A_67 = arith.constant 0 : i32
    %dma_start3A_68 = arith.constant 0 : i32
    %dma_start3A_69 = tpu.memref_slice %arg2[%squeeze3A_6, %dma_start3A_67, %dma_start3A_68] : memref<1000x768x128xf32, #tpu.memory_space<hbm>> -> memref<1x384x128xf32, #tpu.memory_space<hbm>>
    %dma_start3A_70 = tpu.memref_squeeze %dma_start3A_69 : memref<1x384x128xf32, #tpu.memory_space<hbm>> -> memref<384x128xf32, #tpu.memory_space<hbm>>
    %dma_start3A_71 = arith.constant 0 : i32
    %dma_start3A_72 = arith.constant 0 : i32
    %dma_start3A_73 = tpu.memref_slice %arg2[%squeeze3A_6, %dma_start3A_71, %dma_start3A_72] : memref<1000x768x128xf32, #tpu.memory_space<hbm>> -> memref<1x384x128xf32, #tpu.memory_space<hbm>>
    %dma_start3A_74 = tpu.memref_squeeze %dma_start3A_73 : memref<1x384x128xf32, #tpu.memory_space<hbm>> -> memref<384x128xf32, #tpu.memory_space<hbm>>
    tpu.enqueue_dma source(%dma_start3A_74 : memref<384x128xf32, #tpu.memory_space<hbm>>) target(%arg6 : memref<384x128xf32, #tpu.memory_space<vmem>>) target_semaphore(%arg8 : memref<!tpu.dma_semaphore, #tpu.memory_space<semaphore_mem>>)
    %add3A_75 = arith.constant 0 : i32
    %add3A_76 = arith.addi %mul3A_2, %add3A_75 : i32
    %dma_start3A_77 = arith.constant 384 : i32
    %dma_start3A_78 = arith.constant 0 : i32
    %dma_start3A_79 = tpu.memref_slice %arg4[%add3A_76, %dma_start3A_77, %dma_start3A_78] : memref<256x768x128xf32, #tpu.memory_space<hbm>> -> memref<1x384x128xf32, #tpu.memory_space<hbm>>
    %dma_start3A_80 = tpu.memref_squeeze %dma_start3A_79 : memref<1x384x128xf32, #tpu.memory_space<hbm>> -> memref<384x128xf32, #tpu.memory_space<hbm>>
    %dma_start3A_81 = arith.constant 384 : i32
    %dma_start3A_82 = arith.constant 0 : i32
    %dma_start3A_83 = tpu.memref_slice %arg4[%add3A_76, %dma_start3A_81, %dma_start3A_82] : memref<256x768x128xf32, #tpu.memory_space<hbm>> -> memref<1x384x128xf32, #tpu.memory_space<hbm>>
    %dma_start3A_84 = tpu.memref_squeeze %dma_start3A_83 : memref<1x384x128xf32, #tpu.memory_space<hbm>> -> memref<384x128xf32, #tpu.memory_space<hbm>>
    tpu.enqueue_dma source(%arg7 : memref<384x128xf32, #tpu.memory_space<vmem>>) target(%dma_start3A_84 : memref<384x128xf32, #tpu.memory_space<hbm>>) target_semaphore(%arg11 : memref<!tpu.dma_semaphore, #tpu.memory_space<semaphore_mem>>)
    %dma_wait3A_85 = arith.constant 0 : i32
    %dma_wait3A_86 = arith.constant 0 : i32
    %dma_wait3A_87 = tpu.memref_slice %arg2[%squeeze3A_6, %dma_wait3A_85, %dma_wait3A_86] : memref<1000x768x128xf32, #tpu.memory_space<hbm>> -> memref<1x384x128xf32, #tpu.memory_space<hbm>>
    %dma_wait3A_88 = tpu.memref_squeeze %dma_wait3A_87 : memref<1x384x128xf32, #tpu.memory_space<hbm>> -> memref<384x128xf32, #tpu.memory_space<hbm>>
    %dma_wait3A_89 = arith.constant 0 : i32
    %dma_wait3A_90 = arith.constant 0 : i32
    %dma_wait3A_91 = tpu.memref_slice %arg2[%squeeze3A_6, %dma_wait3A_89, %dma_wait3A_90] : memref<1000x768x128xf32, #tpu.memory_space<hbm>> -> memref<1x384x128xf32, #tpu.memory_space<hbm>>
    %dma_wait3A_92 = tpu.memref_squeeze %dma_wait3A_91 : memref<1x384x128xf32, #tpu.memory_space<hbm>> -> memref<384x128xf32, #tpu.memory_space<hbm>>
    tpu.wait_dma2 semaphore(%arg8 : memref<!tpu.dma_semaphore, #tpu.memory_space<semaphore_mem>>) src(%dma_wait3A_92 : memref<384x128xf32, #tpu.memory_space<hbm>>) dst(%arg6 : memref<384x128xf32, #tpu.memory_space<vmem>>)
    %dma_wait3A_93 = arith.constant 384 : i32
    %dma_wait3A_94 = arith.constant 0 : i32
    %dma_wait3A_95 = tpu.memref_slice %arg4[%add3A_76, %dma_wait3A_93, %dma_wait3A_94] : memref<256x768x128xf32, #tpu.memory_space<hbm>> -> memref<1x384x128xf32, #tpu.memory_space<hbm>>
    %dma_wait3A_96 = tpu.memref_squeeze %dma_wait3A_95 : memref<1x384x128xf32, #tpu.memory_space<hbm>> -> memref<384x128xf32, #tpu.memory_space<hbm>>
    %dma_wait3A_97 = arith.constant 384 : i32
    %dma_wait3A_98 = arith.constant 0 : i32
    %dma_wait3A_99 = tpu.memref_slice %arg4[%add3A_76, %dma_wait3A_97, %dma_wait3A_98] : memref<256x768x128xf32, #tpu.memory_space<hbm>> -> memref<1x384x128xf32, #tpu.memory_space<hbm>>
    %dma_wait3A_100 = tpu.memref_squeeze %dma_wait3A_99 : memref<1x384x128xf32, #tpu.memory_space<hbm>> -> memref<384x128xf32, #tpu.memory_space<hbm>>
    tpu.wait_dma2 semaphore(%arg11 : memref<!tpu.dma_semaphore, #tpu.memory_space<semaphore_mem>>) src(%arg7 : memref<384x128xf32, #tpu.memory_space<vmem>>) dst(%dma_wait3A_100 : memref<384x128xf32, #tpu.memory_space<hbm>>)
    %dma_start3A_101 = arith.constant 384 : i32
    %dma_start3A_102 = arith.constant 0 : i32
    %dma_start3A_103 = tpu.memref_slice %arg2[%squeeze3A_6, %dma_start3A_101, %dma_start3A_102] : memref<1000x768x128xf32, #tpu.memory_space<hbm>> -> memref<1x384x128xf32, #tpu.memory_space<hbm>>
    %dma_start3A_104 = tpu.memref_squeeze %dma_start3A_103 : memref<1x384x128xf32, #tpu.memory_space<hbm>> -> memref<384x128xf32, #tpu.memory_space<hbm>>
    %dma_start3A_105 = arith.constant 384 : i32
    %dma_start3A_106 = arith.constant 0 : i32
    %dma_start3A_107 = tpu.memref_slice %arg2[%squeeze3A_6, %dma_start3A_105, %dma_start3A_106] : memref<1000x768x128xf32, #tpu.memory_space<hbm>> -> memref<1x384x128xf32, #tpu.memory_space<hbm>>
    %dma_start3A_108 = tpu.memref_squeeze %dma_start3A_107 : memref<1x384x128xf32, #tpu.memory_space<hbm>> -> memref<384x128xf32, #tpu.memory_space<hbm>>
    tpu.enqueue_dma source(%dma_start3A_108 : memref<384x128xf32, #tpu.memory_space<hbm>>) target(%arg7 : memref<384x128xf32, #tpu.memory_space<vmem>>) target_semaphore(%arg9 : memref<!tpu.dma_semaphore, #tpu.memory_space<semaphore_mem>>)
    %add3A_109 = arith.constant 1 : i32
    %add3A_110 = arith.addi %mul3A_2, %add3A_109 : i32
    %dma_start3A_111 = arith.constant 0 : i32
    %dma_start3A_112 = arith.constant 0 : i32
    %dma_start3A_113 = tpu.memref_slice %arg4[%add3A_110, %dma_start3A_111, %dma_start3A_112] : memref<256x768x128xf32, #tpu.memory_space<hbm>> -> memref<1x384x128xf32, #tpu.memory_space<hbm>>
    %dma_start3A_114 = tpu.memref_squeeze %dma_start3A_113 : memref<1x384x128xf32, #tpu.memory_space<hbm>> -> memref<384x128xf32, #tpu.memory_space<hbm>>
    %dma_start3A_115 = arith.constant 0 : i32
    %dma_start3A_116 = arith.constant 0 : i32
    %dma_start3A_117 = tpu.memref_slice %arg4[%add3A_110, %dma_start3A_115, %dma_start3A_116] : memref<256x768x128xf32, #tpu.memory_space<hbm>> -> memref<1x384x128xf32, #tpu.memory_space<hbm>>
    %dma_start3A_118 = tpu.memref_squeeze %dma_start3A_117 : memref<1x384x128xf32, #tpu.memory_space<hbm>> -> memref<384x128xf32, #tpu.memory_space<hbm>>
    tpu.enqueue_dma source(%arg6 : memref<384x128xf32, #tpu.memory_space<vmem>>) target(%dma_start3A_118 : memref<384x128xf32, #tpu.memory_space<hbm>>) target_semaphore(%arg10 : memref<!tpu.dma_semaphore, #tpu.memory_space<semaphore_mem>>)
    %dma_wait3A_119 = arith.constant 384 : i32
    %dma_wait3A_120 = arith.constant 0 : i32
    %dma_wait3A_121 = tpu.memref_slice %arg2[%squeeze3A_6, %dma_wait3A_119, %dma_wait3A_120] : memref<1000x768x128xf32, #tpu.memory_space<hbm>> -> memref<1x384x128xf32, #tpu.memory_space<hbm>>
    %dma_wait3A_122 = tpu.memref_squeeze %dma_wait3A_121 : memref<1x384x128xf32, #tpu.memory_space<hbm>> -> memref<384x128xf32, #tpu.memory_space<hbm>>
    %dma_wait3A_123 = arith.constant 384 : i32
    %dma_wait3A_124 = arith.constant 0 : i32
    %dma_wait3A_125 = tpu.memref_slice %arg2[%squeeze3A_6, %dma_wait3A_123, %dma_wait3A_124] : memref<1000x768x128xf32, #tpu.memory_space<hbm>> -> memref<1x384x128xf32, #tpu.memory_space<hbm>>
    %dma_wait3A_126 = tpu.memref_squeeze %dma_wait3A_125 : memref<1x384x128xf32, #tpu.memory_space<hbm>> -> memref<384x128xf32, #tpu.memory_space<hbm>>
    tpu.wait_dma2 semaphore(%arg9 : memref<!tpu.dma_semaphore, #tpu.memory_space<semaphore_mem>>) src(%dma_wait3A_126 : memref<384x128xf32, #tpu.memory_space<hbm>>) dst(%arg7 : memref<384x128xf32, #tpu.memory_space<vmem>>)
    %dma_wait3A_127 = arith.constant 0 : i32
    %dma_wait3A_128 = arith.constant 0 : i32
    %dma_wait3A_129 = tpu.memref_slice %arg4[%add3A_110, %dma_wait3A_127, %dma_wait3A_128] : memref<256x768x128xf32, #tpu.memory_space<hbm>> -> memref<1x384x128xf32, #tpu.memory_space<hbm>>
    %dma_wait3A_130 = tpu.memref_squeeze %dma_wait3A_129 : memref<1x384x128xf32, #tpu.memory_space<hbm>> -> memref<384x128xf32, #tpu.memory_space<hbm>>
    %dma_wait3A_131 = arith.constant 0 : i32
    %dma_wait3A_132 = arith.constant 0 : i32
    %dma_wait3A_133 = tpu.memref_slice %arg4[%add3A_110, %dma_wait3A_131, %dma_wait3A_132] : memref<256x768x128xf32, #tpu.memory_space<hbm>> -> memref<1x384x128xf32, #tpu.memory_space<hbm>>
    %dma_wait3A_134 = tpu.memref_squeeze %dma_wait3A_133 : memref<1x384x128xf32, #tpu.memory_space<hbm>> -> memref<384x128xf32, #tpu.memory_space<hbm>>
    tpu.wait_dma2 semaphore(%arg10 : memref<!tpu.dma_semaphore, #tpu.memory_space<semaphore_mem>>) src(%arg6 : memref<384x128xf32, #tpu.memory_space<vmem>>) dst(%dma_wait3A_134 : memref<384x128xf32, #tpu.memory_space<hbm>>)
    %dma_start3A_135 = arith.constant 0 : i32
    %dma_start3A_136 = arith.constant 0 : i32
    %dma_start3A_137 = tpu.memref_slice %arg2[%squeeze3A_8, %dma_start3A_135, %dma_start3A_136] : memref<1000x768x128xf32, #tpu.memory_space<hbm>> -> memref<1x384x128xf32, #tpu.memory_space<hbm>>
    %dma_start3A_138 = tpu.memref_squeeze %dma_start3A_137 : memref<1x384x128xf32, #tpu.memory_space<hbm>> -> memref<384x128xf32, #tpu.memory_space<hbm>>
    %dma_start3A_139 = arith.constant 0 : i32
    %dma_start3A_140 = arith.constant 0 : i32
    %dma_start3A_141 = tpu.memref_slice %arg2[%squeeze3A_8, %dma_start3A_139, %dma_start3A_140] : memref<1000x768x128xf32, #tpu.memory_space<hbm>> -> memref<1x384x128xf32, #tpu.memory_space<hbm>>
    %dma_start3A_142 = tpu.memref_squeeze %dma_start3A_141 : memref<1x384x128xf32, #tpu.memory_space<hbm>> -> memref<384x128xf32, #tpu.memory_space<hbm>>
    tpu.enqueue_dma source(%dma_start3A_142 : memref<384x128xf32, #tpu.memory_space<hbm>>) target(%arg6 : memref<384x128xf32, #tpu.memory_space<vmem>>) target_semaphore(%arg8 : memref<!tpu.dma_semaphore, #tpu.memory_space<semaphore_mem>>)
    %add3A_143 = arith.constant 1 : i32
    %add3A_144 = arith.addi %mul3A_2, %add3A_143 : i32
    %dma_start3A_145 = arith.constant 384 : i32
    %dma_start3A_146 = arith.constant 0 : i32
    %dma_start3A_147 = tpu.memref_slice %arg4[%add3A_144, %dma_start3A_145, %dma_start3A_146] : memref<256x768x128xf32, #tpu.memory_space<hbm>> -> memref<1x384x128xf32, #tpu.memory_space<hbm>>
    %dma_start3A_148 = tpu.memref_squeeze %dma_start3A_147 : memref<1x384x128xf32, #tpu.memory_space<hbm>> -> memref<384x128xf32, #tpu.memory_space<hbm>>
    %dma_start3A_149 = arith.constant 384 : i32
    %dma_start3A_150 = arith.constant 0 : i32
    %dma_start3A_151 = tpu.memref_slice %arg4[%add3A_144, %dma_start3A_149, %dma_start3A_150] : memref<256x768x128xf32, #tpu.memory_space<hbm>> -> memref<1x384x128xf32, #tpu.memory_space<hbm>>
    %dma_start3A_152 = tpu.memref_squeeze %dma_start3A_151 : memref<1x384x128xf32, #tpu.memory_space<hbm>> -> memref<384x128xf32, #tpu.memory_space<hbm>>
    tpu.enqueue_dma source(%arg7 : memref<384x128xf32, #tpu.memory_space<vmem>>) target(%dma_start3A_152 : memref<384x128xf32, #tpu.memory_space<hbm>>) target_semaphore(%arg11 : memref<!tpu.dma_semaphore, #tpu.memory_space<semaphore_mem>>)
    %dma_wait3A_153 = arith.constant 0 : i32
    %dma_wait3A_154 = arith.constant 0 : i32
    %dma_wait3A_155 = tpu.memref_slice %arg2[%squeeze3A_8, %dma_wait3A_153, %dma_wait3A_154] : memref<1000x768x128xf32, #tpu.memory_space<hbm>> -> memref<1x384x128xf32, #tpu.memory_space<hbm>>
    %dma_wait3A_156 = tpu.memref_squeeze %dma_wait3A_155 : memref<1x384x128xf32, #tpu.memory_space<hbm>> -> memref<384x128xf32, #tpu.memory_space<hbm>>
    %dma_wait3A_157 = arith.constant 0 : i32
    %dma_wait3A_158 = arith.constant 0 : i32
    %dma_wait3A_159 = tpu.memref_slice %arg2[%squeeze3A_8, %dma_wait3A_157, %dma_wait3A_158] : memref<1000x768x128xf32, #tpu.memory_space<hbm>> -> memref<1x384x128xf32, #tpu.memory_space<hbm>>
    %dma_wait3A_160 = tpu.memref_squeeze %dma_wait3A_159 : memref<1x384x128xf32, #tpu.memory_space<hbm>> -> memref<384x128xf32, #tpu.memory_space<hbm>>
    tpu.wait_dma2 semaphore(%arg8 : memref<!tpu.dma_semaphore, #tpu.memory_space<semaphore_mem>>) src(%dma_wait3A_160 : memref<384x128xf32, #tpu.memory_space<hbm>>) dst(%arg6 : memref<384x128xf32, #tpu.memory_space<vmem>>)
    %dma_wait3A_161 = arith.constant 384 : i32
    %dma_wait3A_162 = arith.constant 0 : i32
    %dma_wait3A_163 = tpu.memref_slice %arg4[%add3A_144, %dma_wait3A_161, %dma_wait3A_162] : memref<256x768x128xf32, #tpu.memory_space<hbm>> -> memref<1x384x128xf32, #tpu.memory_space<hbm>>
    %dma_wait3A_164 = tpu.memref_squeeze %dma_wait3A_163 : memref<1x384x128xf32, #tpu.memory_space<hbm>> -> memref<384x128xf32, #tpu.memory_space<hbm>>
    %dma_wait3A_165 = arith.constant 384 : i32
    %dma_wait3A_166 = arith.constant 0 : i32
    %dma_wait3A_167 = tpu.memref_slice %arg4[%add3A_144, %dma_wait3A_165, %dma_wait3A_166] : memref<256x768x128xf32, #tpu.memory_space<hbm>> -> memref<1x384x128xf32, #tpu.memory_space<hbm>>
    %dma_wait3A_168 = tpu.memref_squeeze %dma_wait3A_167 : memref<1x384x128xf32, #tpu.memory_space<hbm>> -> memref<384x128xf32, #tpu.memory_space<hbm>>
    tpu.wait_dma2 semaphore(%arg11 : memref<!tpu.dma_semaphore, #tpu.memory_space<semaphore_mem>>) src(%arg7 : memref<384x128xf32, #tpu.memory_space<vmem>>) dst(%dma_wait3A_168 : memref<384x128xf32, #tpu.memory_space<hbm>>)
    %dma_start3A_169 = arith.constant 384 : i32
    %dma_start3A_170 = arith.constant 0 : i32
    %dma_start3A_171 = tpu.memref_slice %arg2[%squeeze3A_8, %dma_start3A_169, %dma_start3A_170] : memref<1000x768x128xf32, #tpu.memory_space<hbm>> -> memref<1x384x128xf32, #tpu.memory_space<hbm>>
    %dma_start3A_172 = tpu.memref_squeeze %dma_start3A_171 : memref<1x384x128xf32, #tpu.memory_space<hbm>> -> memref<384x128xf32, #tpu.memory_space<hbm>>
    %dma_start3A_173 = arith.constant 384 : i32
    %dma_start3A_174 = arith.constant 0 : i32
    %dma_start3A_175 = tpu.memref_slice %arg2[%squeeze3A_8, %dma_start3A_173, %dma_start3A_174] : memref<1000x768x128xf32, #tpu.memory_space<hbm>> -> memref<1x384x128xf32, #tpu.memory_space<hbm>>
    %dma_start3A_176 = tpu.memref_squeeze %dma_start3A_175 : memref<1x384x128xf32, #tpu.memory_space<hbm>> -> memref<384x128xf32, #tpu.memory_space<hbm>>
    tpu.enqueue_dma source(%dma_start3A_176 : memref<384x128xf32, #tpu.memory_space<hbm>>) target(%arg7 : memref<384x128xf32, #tpu.memory_space<vmem>>) target_semaphore(%arg9 : memref<!tpu.dma_semaphore, #tpu.memory_space<semaphore_mem>>)
    %add3A_177 = arith.constant 2 : i32
    %add3A_178 = arith.addi %mul3A_2, %add3A_177 : i32
    %dma_start3A_179 = arith.constant 0 : i32
    %dma_start3A_180 = arith.constant 0 : i32
    %dma_start3A_181 = tpu.memref_slice %arg4[%add3A_178, %dma_start3A_179, %dma_start3A_180] : memref<256x768x128xf32, #tpu.memory_space<hbm>> -> memref<1x384x128xf32, #tpu.memory_space<hbm>>
    %dma_start3A_182 = tpu.memref_squeeze %dma_start3A_181 : memref<1x384x128xf32, #tpu.memory_space<hbm>> -> memref<384x128xf32, #tpu.memory_space<hbm>>
    %dma_start3A_183 = arith.constant 0 : i32
    %dma_start3A_184 = arith.constant 0 : i32
    %dma_start3A_185 = tpu.memref_slice %arg4[%add3A_178, %dma_start3A_183, %dma_start3A_184] : memref<256x768x128xf32, #tpu.memory_space<hbm>> -> memref<1x384x128xf32, #tpu.memory_space<hbm>>
    %dma_start3A_186 = tpu.memref_squeeze %dma_start3A_185 : memref<1x384x128xf32, #tpu.memory_space<hbm>> -> memref<384x128xf32, #tpu.memory_space<hbm>>
    tpu.enqueue_dma source(%arg6 : memref<384x128xf32, #tpu.memory_space<vmem>>) target(%dma_start3A_186 : memref<384x128xf32, #tpu.memory_space<hbm>>) target_semaphore(%arg10 : memref<!tpu.dma_semaphore, #tpu.memory_space<semaphore_mem>>)
    %dma_wait3A_187 = arith.constant 384 : i32
    %dma_wait3A_188 = arith.constant 0 : i32
    %dma_wait3A_189 = tpu.memref_slice %arg2[%squeeze3A_8, %dma_wait3A_187, %dma_wait3A_188] : memref<1000x768x128xf32, #tpu.memory_space<hbm>> -> memref<1x384x128xf32, #tpu.memory_space<hbm>>
    %dma_wait3A_190 = tpu.memref_squeeze %dma_wait3A_189 : memref<1x384x128xf32, #tpu.memory_space<hbm>> -> memref<384x128xf32, #tpu.memory_space<hbm>>
    %dma_wait3A_191 = arith.constant 384 : i32
    %dma_wait3A_192 = arith.constant 0 : i32
    %dma_wait3A_193 = tpu.memref_slice %arg2[%squeeze3A_8, %dma_wait3A_191, %dma_wait3A_192] : memref<1000x768x128xf32, #tpu.memory_space<hbm>> -> memref<1x384x128xf32, #tpu.memory_space<hbm>>
    %dma_wait3A_194 = tpu.memref_squeeze %dma_wait3A_193 : memref<1x384x128xf32, #tpu.memory_space<hbm>> -> memref<384x128xf32, #tpu.memory_space<hbm>>
    tpu.wait_dma2 semaphore(%arg9 : memref<!tpu.dma_semaphore, #tpu.memory_space<semaphore_mem>>) src(%dma_wait3A_194 : memref<384x128xf32, #tpu.memory_space<hbm>>) dst(%arg7 : memref<384x128xf32, #tpu.memory_space<vmem>>)
    %dma_wait3A_195 = arith.constant 0 : i32
    %dma_wait3A_196 = arith.constant 0 : i32
    %dma_wait3A_197 = tpu.memref_slice %arg4[%add3A_178, %dma_wait3A_195, %dma_wait3A_196] : memref<256x768x128xf32, #tpu.memory_space<hbm>> -> memref<1x384x128xf32, #tpu.memory_space<hbm>>
    %dma_wait3A_198 = tpu.memref_squeeze %dma_wait3A_197 : memref<1x384x128xf32, #tpu.memory_space<hbm>> -> memref<384x128xf32, #tpu.memory_space<hbm>>
    %dma_wait3A_199 = arith.constant 0 : i32
    %dma_wait3A_200 = arith.constant 0 : i32
    %dma_wait3A_201 = tpu.memref_slice %arg4[%add3A_178, %dma_wait3A_199, %dma_wait3A_200] : memref<256x768x128xf32, #tpu.memory_space<hbm>> -> memref<1x384x128xf32, #tpu.memory_space<hbm>>
    %dma_wait3A_202 = tpu.memref_squeeze %dma_wait3A_201 : memref<1x384x128xf32, #tpu.memory_space<hbm>> -> memref<384x128xf32, #tpu.memory_space<hbm>>
    tpu.wait_dma2 semaphore(%arg10 : memref<!tpu.dma_semaphore, #tpu.memory_space<semaphore_mem>>) src(%arg6 : memref<384x128xf32, #tpu.memory_space<vmem>>) dst(%dma_wait3A_202 : memref<384x128xf32, #tpu.memory_space<hbm>>)
    %dma_start3A_203 = arith.constant 0 : i32
    %dma_start3A_204 = arith.constant 0 : i32
    %dma_start3A_205 = tpu.memref_slice %arg2[%squeeze3A_10, %dma_start3A_203, %dma_start3A_204] : memref<1000x768x128xf32, #tpu.memory_space<hbm>> -> memref<1x384x128xf32, #tpu.memory_space<hbm>>
    %dma_start3A_206 = tpu.memref_squeeze %dma_start3A_205 : memref<1x384x128xf32, #tpu.memory_space<hbm>> -> memref<384x128xf32, #tpu.memory_space<hbm>>
    %dma_start3A_207 = arith.constant 0 : i32
    %dma_start3A_208 = arith.constant 0 : i32
    %dma_start3A_209 = tpu.memref_slice %arg2[%squeeze3A_10, %dma_start3A_207, %dma_start3A_208] : memref<1000x768x128xf32, #tpu.memory_space<hbm>> -> memref<1x384x128xf32, #tpu.memory_space<hbm>>
    %dma_start3A_210 = tpu.memref_squeeze %dma_start3A_209 : memref<1x384x128xf32, #tpu.memory_space<hbm>> -> memref<384x128xf32, #tpu.memory_space<hbm>>
    tpu.enqueue_dma source(%dma_start3A_210 : memref<384x128xf32, #tpu.memory_space<hbm>>) target(%arg6 : memref<384x128xf32, #tpu.memory_space<vmem>>) target_semaphore(%arg8 : memref<!tpu.dma_semaphore, #tpu.memory_space<semaphore_mem>>)
    %add3A_211 = arith.constant 2 : i32
    %add3A_212 = arith.addi %mul3A_2, %add3A_211 : i32
    %dma_start3A_213 = arith.constant 384 : i32
    %dma_start3A_214 = arith.constant 0 : i32
    %dma_start3A_215 = tpu.memref_slice %arg4[%add3A_212, %dma_start3A_213, %dma_start3A_214] : memref<256x768x128xf32, #tpu.memory_space<hbm>> -> memref<1x384x128xf32, #tpu.memory_space<hbm>>
    %dma_start3A_216 = tpu.memref_squeeze %dma_start3A_215 : memref<1x384x128xf32, #tpu.memory_space<hbm>> -> memref<384x128xf32, #tpu.memory_space<hbm>>
    %dma_start3A_217 = arith.constant 384 : i32
    %dma_start3A_218 = arith.constant 0 : i32
    %dma_start3A_219 = tpu.memref_slice %arg4[%add3A_212, %dma_start3A_217, %dma_start3A_218] : memref<256x768x128xf32, #tpu.memory_space<hbm>> -> memref<1x384x128xf32, #tpu.memory_space<hbm>>
    %dma_start3A_220 = tpu.memref_squeeze %dma_start3A_219 : memref<1x384x128xf32, #tpu.memory_space<hbm>> -> memref<384x128xf32, #tpu.memory_space<hbm>>
    tpu.enqueue_dma source(%arg7 : memref<384x128xf32, #tpu.memory_space<vmem>>) target(%dma_start3A_220 : memref<384x128xf32, #tpu.memory_space<hbm>>) target_semaphore(%arg11 : memref<!tpu.dma_semaphore, #tpu.memory_space<semaphore_mem>>)
    %dma_wait3A_221 = arith.constant 0 : i32
    %dma_wait3A_222 = arith.constant 0 : i32
    %dma_wait3A_223 = tpu.memref_slice %arg2[%squeeze3A_10, %dma_wait3A_221, %dma_wait3A_222] : memref<1000x768x128xf32, #tpu.memory_space<hbm>> -> memref<1x384x128xf32, #tpu.memory_space<hbm>>
    %dma_wait3A_224 = tpu.memref_squeeze %dma_wait3A_223 : memref<1x384x128xf32, #tpu.memory_space<hbm>> -> memref<384x128xf32, #tpu.memory_space<hbm>>
    %dma_wait3A_225 = arith.constant 0 : i32
    %dma_wait3A_226 = arith.constant 0 : i32
    %dma_wait3A_227 = tpu.memref_slice %arg2[%squeeze3A_10, %dma_wait3A_225, %dma_wait3A_226] : memref<1000x768x128xf32, #tpu.memory_space<hbm>> -> memref<1x384x128xf32, #tpu.memory_space<hbm>>
    %dma_wait3A_228 = tpu.memref_squeeze %dma_wait3A_227 : memref<1x384x128xf32, #tpu.memory_space<hbm>> -> memref<384x128xf32, #tpu.memory_space<hbm>>
    tpu.wait_dma2 semaphore(%arg8 : memref<!tpu.dma_semaphore, #tpu.memory_space<semaphore_mem>>) src(%dma_wait3A_228 : memref<384x128xf32, #tpu.memory_space<hbm>>) dst(%arg6 : memref<384x128xf32, #tpu.memory_space<vmem>>)
    %dma_wait3A_229 = arith.constant 384 : i32
    %dma_wait3A_230 = arith.constant 0 : i32
    %dma_wait3A_231 = tpu.memref_slice %arg4[%add3A_212, %dma_wait3A_229, %dma_wait3A_230] : memref<256x768x128xf32, #tpu.memory_space<hbm>> -> memref<1x384x128xf32, #tpu.memory_space<hbm>>
    %dma_wait3A_232 = tpu.memref_squeeze %dma_wait3A_231 : memref<1x384x128xf32, #tpu.memory_space<hbm>> -> memref<384x128xf32, #tpu.memory_space<hbm>>
    %dma_wait3A_233 = arith.constant 384 : i32
    %dma_wait3A_234 = arith.constant 0 : i32
    %dma_wait3A_235 = tpu.memref_slice %arg4[%add3A_212, %dma_wait3A_233, %dma_wait3A_234] : memref<256x768x128xf32, #tpu.memory_space<hbm>> -> memref<1x384x128xf32, #tpu.memory_space<hbm>>
    %dma_wait3A_236 = tpu.memref_squeeze %dma_wait3A_235 : memref<1x384x128xf32, #tpu.memory_space<hbm>> -> memref<384x128xf32, #tpu.memory_space<hbm>>
    tpu.wait_dma2 semaphore(%arg11 : memref<!tpu.dma_semaphore, #tpu.memory_space<semaphore_mem>>) src(%arg7 : memref<384x128xf32, #tpu.memory_space<vmem>>) dst(%dma_wait3A_236 : memref<384x128xf32, #tpu.memory_space<hbm>>)
    %dma_start3A_237 = arith.constant 384 : i32
    %dma_start3A_238 = arith.constant 0 : i32
    %dma_start3A_239 = tpu.memref_slice %arg2[%squeeze3A_10, %dma_start3A_237, %dma_start3A_238] : memref<1000x768x128xf32, #tpu.memory_space<hbm>> -> memref<1x384x128xf32, #tpu.memory_space<hbm>>
    %dma_start3A_240 = tpu.memref_squeeze %dma_start3A_239 : memref<1x384x128xf32, #tpu.memory_space<hbm>> -> memref<384x128xf32, #tpu.memory_space<hbm>>
    %dma_start3A_241 = arith.constant 384 : i32
    %dma_start3A_242 = arith.constant 0 : i32
    %dma_start3A_243 = tpu.memref_slice %arg2[%squeeze3A_10, %dma_start3A_241, %dma_start3A_242] : memref<1000x768x128xf32, #tpu.memory_space<hbm>> -> memref<1x384x128xf32, #tpu.memory_space<hbm>>
    %dma_start3A_244 = tpu.memref_squeeze %dma_start3A_243 : memref<1x384x128xf32, #tpu.memory_space<hbm>> -> memref<384x128xf32, #tpu.memory_space<hbm>>
    tpu.enqueue_dma source(%dma_start3A_244 : memref<384x128xf32, #tpu.memory_space<hbm>>) target(%arg7 : memref<384x128xf32, #tpu.memory_space<vmem>>) target_semaphore(%arg9 : memref<!tpu.dma_semaphore, #tpu.memory_space<semaphore_mem>>)
    %add3A_245 = arith.constant 3 : i32
    %add3A_246 = arith.addi %mul3A_2, %add3A_245 : i32
    %dma_start3A_247 = arith.constant 0 : i32
    %dma_start3A_248 = arith.constant 0 : i32
    %dma_start3A_249 = tpu.memref_slice %arg4[%add3A_246, %dma_start3A_247, %dma_start3A_248] : memref<256x768x128xf32, #tpu.memory_space<hbm>> -> memref<1x384x128xf32, #tpu.memory_space<hbm>>
    %dma_start3A_250 = tpu.memref_squeeze %dma_start3A_249 : memref<1x384x128xf32, #tpu.memory_space<hbm>> -> memref<384x128xf32, #tpu.memory_space<hbm>>
    %dma_start3A_251 = arith.constant 0 : i32
    %dma_start3A_252 = arith.constant 0 : i32
    %dma_start3A_253 = tpu.memref_slice %arg4[%add3A_246, %dma_start3A_251, %dma_start3A_252] : memref<256x768x128xf32, #tpu.memory_space<hbm>> -> memref<1x384x128xf32, #tpu.memory_space<hbm>>
    %dma_start3A_254 = tpu.memref_squeeze %dma_start3A_253 : memref<1x384x128xf32, #tpu.memory_space<hbm>> -> memref<384x128xf32, #tpu.memory_space<hbm>>
    tpu.enqueue_dma source(%arg6 : memref<384x128xf32, #tpu.memory_space<vmem>>) target(%dma_start3A_254 : memref<384x128xf32, #tpu.memory_space<hbm>>) target_semaphore(%arg10 : memref<!tpu.dma_semaphore, #tpu.memory_space<semaphore_mem>>)
    %dma_wait3A_255 = arith.constant 384 : i32
    %dma_wait3A_256 = arith.constant 0 : i32
    %dma_wait3A_257 = tpu.memref_slice %arg2[%squeeze3A_10, %dma_wait3A_255, %dma_wait3A_256] : memref<1000x768x128xf32, #tpu.memory_space<hbm>> -> memref<1x384x128xf32, #tpu.memory_space<hbm>>
    %dma_wait3A_258 = tpu.memref_squeeze %dma_wait3A_257 : memref<1x384x128xf32, #tpu.memory_space<hbm>> -> memref<384x128xf32, #tpu.memory_space<hbm>>
    %dma_wait3A_259 = arith.constant 384 : i32
    %dma_wait3A_260 = arith.constant 0 : i32
    %dma_wait3A_261 = tpu.memref_slice %arg2[%squeeze3A_10, %dma_wait3A_259, %dma_wait3A_260] : memref<1000x768x128xf32, #tpu.memory_space<hbm>> -> memref<1x384x128xf32, #tpu.memory_space<hbm>>
    %dma_wait3A_262 = tpu.memref_squeeze %dma_wait3A_261 : memref<1x384x128xf32, #tpu.memory_space<hbm>> -> memref<384x128xf32, #tpu.memory_space<hbm>>
    tpu.wait_dma2 semaphore(%arg9 : memref<!tpu.dma_semaphore, #tpu.memory_space<semaphore_mem>>) src(%dma_wait3A_262 : memref<384x128xf32, #tpu.memory_space<hbm>>) dst(%arg7 : memref<384x128xf32, #tpu.memory_space<vmem>>)
    %dma_wait3A_263 = arith.constant 0 : i32
    %dma_wait3A_264 = arith.constant 0 : i32
    %dma_wait3A_265 = tpu.memref_slice %arg4[%add3A_246, %dma_wait3A_263, %dma_wait3A_264] : memref<256x768x128xf32, #tpu.memory_space<hbm>> -> memref<1x384x128xf32, #tpu.memory_space<hbm>>
    %dma_wait3A_266 = tpu.memref_squeeze %dma_wait3A_265 : memref<1x384x128xf32, #tpu.memory_space<hbm>> -> memref<384x128xf32, #tpu.memory_space<hbm>>
    %dma_wait3A_267 = arith.constant 0 : i32
    %dma_wait3A_268 = arith.constant 0 : i32
    %dma_wait3A_269 = tpu.memref_slice %arg4[%add3A_246, %dma_wait3A_267, %dma_wait3A_268] : memref<256x768x128xf32, #tpu.memory_space<hbm>> -> memref<1x384x128xf32, #tpu.memory_space<hbm>>
    %dma_wait3A_270 = tpu.memref_squeeze %dma_wait3A_269 : memref<1x384x128xf32, #tpu.memory_space<hbm>> -> memref<384x128xf32, #tpu.memory_space<hbm>>
    tpu.wait_dma2 semaphore(%arg10 : memref<!tpu.dma_semaphore, #tpu.memory_space<semaphore_mem>>) src(%arg6 : memref<384x128xf32, #tpu.memory_space<vmem>>) dst(%dma_wait3A_270 : memref<384x128xf32, #tpu.memory_space<hbm>>)
    %dma_start3A_271 = arith.constant 0 : i32
    %dma_start3A_272 = arith.constant 0 : i32
    %dma_start3A_273 = tpu.memref_slice %arg2[%squeeze3A_12, %dma_start3A_271, %dma_start3A_272] : memref<1000x768x128xf32, #tpu.memory_space<hbm>> -> memref<1x384x128xf32, #tpu.memory_space<hbm>>
    %dma_start3A_274 = tpu.memref_squeeze %dma_start3A_273 : memref<1x384x128xf32, #tpu.memory_space<hbm>> -> memref<384x128xf32, #tpu.memory_space<hbm>>
    %dma_start3A_275 = arith.constant 0 : i32
    %dma_start3A_276 = arith.constant 0 : i32
    %dma_start3A_277 = tpu.memref_slice %arg2[%squeeze3A_12, %dma_start3A_275, %dma_start3A_276] : memref<1000x768x128xf32, #tpu.memory_space<hbm>> -> memref<1x384x128xf32, #tpu.memory_space<hbm>>
    %dma_start3A_278 = tpu.memref_squeeze %dma_start3A_277 : memref<1x384x128xf32, #tpu.memory_space<hbm>> -> memref<384x128xf32, #tpu.memory_space<hbm>>
    tpu.enqueue_dma source(%dma_start3A_278 : memref<384x128xf32, #tpu.memory_space<hbm>>) target(%arg6 : memref<384x128xf32, #tpu.memory_space<vmem>>) target_semaphore(%arg8 : memref<!tpu.dma_semaphore, #tpu.memory_space<semaphore_mem>>)
    %add3A_279 = arith.constant 3 : i32
    %add3A_280 = arith.addi %mul3A_2, %add3A_279 : i32
    %dma_start3A_281 = arith.constant 384 : i32
    %dma_start3A_282 = arith.constant 0 : i32
    %dma_start3A_283 = tpu.memref_slice %arg4[%add3A_280, %dma_start3A_281, %dma_start3A_282] : memref<256x768x128xf32, #tpu.memory_space<hbm>> -> memref<1x384x128xf32, #tpu.memory_space<hbm>>
    %dma_start3A_284 = tpu.memref_squeeze %dma_start3A_283 : memref<1x384x128xf32, #tpu.memory_space<hbm>> -> memref<384x128xf32, #tpu.memory_space<hbm>>
    %dma_start3A_285 = arith.constant 384 : i32
    %dma_start3A_286 = arith.constant 0 : i32
    %dma_start3A_287 = tpu.memref_slice %arg4[%add3A_280, %dma_start3A_285, %dma_start3A_286] : memref<256x768x128xf32, #tpu.memory_space<hbm>> -> memref<1x384x128xf32, #tpu.memory_space<hbm>>
    %dma_start3A_288 = tpu.memref_squeeze %dma_start3A_287 : memref<1x384x128xf32, #tpu.memory_space<hbm>> -> memref<384x128xf32, #tpu.memory_space<hbm>>
    tpu.enqueue_dma source(%arg7 : memref<384x128xf32, #tpu.memory_space<vmem>>) target(%dma_start3A_288 : memref<384x128xf32, #tpu.memory_space<hbm>>) target_semaphore(%arg11 : memref<!tpu.dma_semaphore, #tpu.memory_space<semaphore_mem>>)
    %dma_wait3A_289 = arith.constant 0 : i32
    %dma_wait3A_290 = arith.constant 0 : i32
    %dma_wait3A_291 = tpu.memref_slice %arg2[%squeeze3A_12, %dma_wait3A_289, %dma_wait3A_290] : memref<1000x768x128xf32, #tpu.memory_space<hbm>> -> memref<1x384x128xf32, #tpu.memory_space<hbm>>
    %dma_wait3A_292 = tpu.memref_squeeze %dma_wait3A_291 : memref<1x384x128xf32, #tpu.memory_space<hbm>> -> memref<384x128xf32, #tpu.memory_space<hbm>>
    %dma_wait3A_293 = arith.constant 0 : i32
    %dma_wait3A_294 = arith.constant 0 : i32
    %dma_wait3A_295 = tpu.memref_slice %arg2[%squeeze3A_12, %dma_wait3A_293, %dma_wait3A_294] : memref<1000x768x128xf32, #tpu.memory_space<hbm>> -> memref<1x384x128xf32, #tpu.memory_space<hbm>>
    %dma_wait3A_296 = tpu.memref_squeeze %dma_wait3A_295 : memref<1x384x128xf32, #tpu.memory_space<hbm>> -> memref<384x128xf32, #tpu.memory_space<hbm>>
    tpu.wait_dma2 semaphore(%arg8 : memref<!tpu.dma_semaphore, #tpu.memory_space<semaphore_mem>>) src(%dma_wait3A_296 : memref<384x128xf32, #tpu.memory_space<hbm>>) dst(%arg6 : memref<384x128xf32, #tpu.memory_space<vmem>>)
    %dma_wait3A_297 = arith.constant 384 : i32
    %dma_wait3A_298 = arith.constant 0 : i32
    %dma_wait3A_299 = tpu.memref_slice %arg4[%add3A_280, %dma_wait3A_297, %dma_wait3A_298] : memref<256x768x128xf32, #tpu.memory_space<hbm>> -> memref<1x384x128xf32, #tpu.memory_space<hbm>>
    %dma_wait3A_300 = tpu.memref_squeeze %dma_wait3A_299 : memref<1x384x128xf32, #tpu.memory_space<hbm>> -> memref<384x128xf32, #tpu.memory_space<hbm>>
    %dma_wait3A_301 = arith.constant 384 : i32
    %dma_wait3A_302 = arith.constant 0 : i32
    %dma_wait3A_303 = tpu.memref_slice %arg4[%add3A_280, %dma_wait3A_301, %dma_wait3A_302] : memref<256x768x128xf32, #tpu.memory_space<hbm>> -> memref<1x384x128xf32, #tpu.memory_space<hbm>>
    %dma_wait3A_304 = tpu.memref_squeeze %dma_wait3A_303 : memref<1x384x128xf32, #tpu.memory_space<hbm>> -> memref<384x128xf32, #tpu.memory_space<hbm>>
    tpu.wait_dma2 semaphore(%arg11 : memref<!tpu.dma_semaphore, #tpu.memory_space<semaphore_mem>>) src(%arg7 : memref<384x128xf32, #tpu.memory_space<vmem>>) dst(%dma_wait3A_304 : memref<384x128xf32, #tpu.memory_space<hbm>>)
    %dma_start3A_305 = arith.constant 384 : i32
    %dma_start3A_306 = arith.constant 0 : i32
    %dma_start3A_307 = tpu.memref_slice %arg2[%squeeze3A_12, %dma_start3A_305, %dma_start3A_306] : memref<1000x768x128xf32, #tpu.memory_space<hbm>> -> memref<1x384x128xf32, #tpu.memory_space<hbm>>
    %dma_start3A_308 = tpu.memref_squeeze %dma_start3A_307 : memref<1x384x128xf32, #tpu.memory_space<hbm>> -> memref<384x128xf32, #tpu.memory_space<hbm>>
    %dma_start3A_309 = arith.constant 384 : i32
    %dma_start3A_310 = arith.constant 0 : i32
    %dma_start3A_311 = tpu.memref_slice %arg2[%squeeze3A_12, %dma_start3A_309, %dma_start3A_310] : memref<1000x768x128xf32, #tpu.memory_space<hbm>> -> memref<1x384x128xf32, #tpu.memory_space<hbm>>
    %dma_start3A_312 = tpu.memref_squeeze %dma_start3A_311 : memref<1x384x128xf32, #tpu.memory_space<hbm>> -> memref<384x128xf32, #tpu.memory_space<hbm>>
    tpu.enqueue_dma source(%dma_start3A_312 : memref<384x128xf32, #tpu.memory_space<hbm>>) target(%arg7 : memref<384x128xf32, #tpu.memory_space<vmem>>) target_semaphore(%arg9 : memref<!tpu.dma_semaphore, #tpu.memory_space<semaphore_mem>>)
    %add3A_313 = arith.constant 4 : i32
    %add3A_314 = arith.addi %mul3A_2, %add3A_313 : i32
    %dma_start3A_315 = arith.constant 0 : i32
    %dma_start3A_316 = arith.constant 0 : i32
    %dma_start3A_317 = tpu.memref_slice %arg4[%add3A_314, %dma_start3A_315, %dma_start3A_316] : memref<256x768x128xf32, #tpu.memory_space<hbm>> -> memref<1x384x128xf32, #tpu.memory_space<hbm>>
    %dma_start3A_318 = tpu.memref_squeeze %dma_start3A_317 : memref<1x384x128xf32, #tpu.memory_space<hbm>> -> memref<384x128xf32, #tpu.memory_space<hbm>>
    %dma_start3A_319 = arith.constant 0 : i32
    %dma_start3A_320 = arith.constant 0 : i32
    %dma_start3A_321 = tpu.memref_slice %arg4[%add3A_314, %dma_start3A_319, %dma_start3A_320] : memref<256x768x128xf32, #tpu.memory_space<hbm>> -> memref<1x384x128xf32, #tpu.memory_space<hbm>>
    %dma_start3A_322 = tpu.memref_squeeze %dma_start3A_321 : memref<1x384x128xf32, #tpu.memory_space<hbm>> -> memref<384x128xf32, #tpu.memory_space<hbm>>
    tpu.enqueue_dma source(%arg6 : memref<384x128xf32, #tpu.memory_space<vmem>>) target(%dma_start3A_322 : memref<384x128xf32, #tpu.memory_space<hbm>>) target_semaphore(%arg10 : memref<!tpu.dma_semaphore, #tpu.memory_space<semaphore_mem>>)
    %dma_wait3A_323 = arith.constant 384 : i32
    %dma_wait3A_324 = arith.constant 0 : i32
    %dma_wait3A_325 = tpu.memref_slice %arg2[%squeeze3A_12, %dma_wait3A_323, %dma_wait3A_324] : memref<1000x768x128xf32, #tpu.memory_space<hbm>> -> memref<1x384x128xf32, #tpu.memory_space<hbm>>
    %dma_wait3A_326 = tpu.memref_squeeze %dma_wait3A_325 : memref<1x384x128xf32, #tpu.memory_space<hbm>> -> memref<384x128xf32, #tpu.memory_space<hbm>>
    %dma_wait3A_327 = arith.constant 384 : i32
    %dma_wait3A_328 = arith.constant 0 : i32
    %dma_wait3A_329 = tpu.memref_slice %arg2[%squeeze3A_12, %dma_wait3A_327, %dma_wait3A_328] : memref<1000x768x128xf32, #tpu.memory_space<hbm>> -> memref<1x384x128xf32, #tpu.memory_space<hbm>>
    %dma_wait3A_330 = tpu.memref_squeeze %dma_wait3A_329 : memref<1x384x128xf32, #tpu.memory_space<hbm>> -> memref<384x128xf32, #tpu.memory_space<hbm>>
    tpu.wait_dma2 semaphore(%arg9 : memref<!tpu.dma_semaphore, #tpu.memory_space<semaphore_mem>>) src(%dma_wait3A_330 : memref<384x128xf32, #tpu.memory_space<hbm>>) dst(%arg7 : memref<384x128xf32, #tpu.memory_space<vmem>>)
    %dma_wait3A_331 = arith.constant 0 : i32
    %dma_wait3A_332 = arith.constant 0 : i32
    %dma_wait3A_333 = tpu.memref_slice %arg4[%add3A_314, %dma_wait3A_331, %dma_wait3A_332] : memref<256x768x128xf32, #tpu.memory_space<hbm>> -> memref<1x384x128xf32, #tpu.memory_space<hbm>>
    %dma_wait3A_334 = tpu.memref_squeeze %dma_wait3A_333 : memref<1x384x128xf32, #tpu.memory_space<hbm>> -> memref<384x128xf32, #tpu.memory_space<hbm>>
    %dma_wait3A_335 = arith.constant 0 : i32
    %dma_wait3A_336 = arith.constant 0 : i32
    %dma_wait3A_337 = tpu.memref_slice %arg4[%add3A_314, %dma_wait3A_335, %dma_wait3A_336] : memref<256x768x128xf32, #tpu.memory_space<hbm>> -> memref<1x384x128xf32, #tpu.memory_space<hbm>>
    %dma_wait3A_338 = tpu.memref_squeeze %dma_wait3A_337 : memref<1x384x128xf32, #tpu.memory_space<hbm>> -> memref<384x128xf32, #tpu.memory_space<hbm>>
    tpu.wait_dma2 semaphore(%arg10 : memref<!tpu.dma_semaphore, #tpu.memory_space<semaphore_mem>>) src(%arg6 : memref<384x128xf32, #tpu.memory_space<vmem>>) dst(%dma_wait3A_338 : memref<384x128xf32, #tpu.memory_space<hbm>>)
    %dma_start3A_339 = arith.constant 0 : i32
    %dma_start3A_340 = arith.constant 0 : i32
    %dma_start3A_341 = tpu.memref_slice %arg2[%squeeze3A_14, %dma_start3A_339, %dma_start3A_340] : memref<1000x768x128xf32, #tpu.memory_space<hbm>> -> memref<1x384x128xf32, #tpu.memory_space<hbm>>
    %dma_start3A_342 = tpu.memref_squeeze %dma_start3A_341 : memref<1x384x128xf32, #tpu.memory_space<hbm>> -> memref<384x128xf32, #tpu.memory_space<hbm>>
    %dma_start3A_343 = arith.constant 0 : i32
    %dma_start3A_344 = arith.constant 0 : i32
    %dma_start3A_345 = tpu.memref_slice %arg2[%squeeze3A_14, %dma_start3A_343, %dma_start3A_344] : memref<1000x768x128xf32, #tpu.memory_space<hbm>> -> memref<1x384x128xf32, #tpu.memory_space<hbm>>
    %dma_start3A_346 = tpu.memref_squeeze %dma_start3A_345 : memref<1x384x128xf32, #tpu.memory_space<hbm>> -> memref<384x128xf32, #tpu.memory_space<hbm>>
    tpu.enqueue_dma source(%dma_start3A_346 : memref<384x128xf32, #tpu.memory_space<hbm>>) target(%arg6 : memref<384x128xf32, #tpu.memory_space<vmem>>) target_semaphore(%arg8 : memref<!tpu.dma_semaphore, #tpu.memory_space<semaphore_mem>>)
    %add3A_347 = arith.constant 4 : i32
    %add3A_348 = arith.addi %mul3A_2, %add3A_347 : i32
    %dma_start3A_349 = arith.constant 384 : i32
    %dma_start3A_350 = arith.constant 0 : i32
    %dma_start3A_351 = tpu.memref_slice %arg4[%add3A_348, %dma_start3A_349, %dma_start3A_350] : memref<256x768x128xf32, #tpu.memory_space<hbm>> -> memref<1x384x128xf32, #tpu.memory_space<hbm>>
    %dma_start3A_352 = tpu.memref_squeeze %dma_start3A_351 : memref<1x384x128xf32, #tpu.memory_space<hbm>> -> memref<384x128xf32, #tpu.memory_space<hbm>>
    %dma_start3A_353 = arith.constant 384 : i32
    %dma_start3A_354 = arith.constant 0 : i32
    %dma_start3A_355 = tpu.memref_slice %arg4[%add3A_348, %dma_start3A_353, %dma_start3A_354] : memref<256x768x128xf32, #tpu.memory_space<hbm>> -> memref<1x384x128xf32, #tpu.memory_space<hbm>>
    %dma_start3A_356 = tpu.memref_squeeze %dma_start3A_355 : memref<1x384x128xf32, #tpu.memory_space<hbm>> -> memref<384x128xf32, #tpu.memory_space<hbm>>
    tpu.enqueue_dma source(%arg7 : memref<384x128xf32, #tpu.memory_space<vmem>>) target(%dma_start3A_356 : memref<384x128xf32, #tpu.memory_space<hbm>>) target_semaphore(%arg11 : memref<!tpu.dma_semaphore, #tpu.memory_space<semaphore_mem>>)
    %dma_wait3A_357 = arith.constant 0 : i32
    %dma_wait3A_358 = arith.constant 0 : i32
    %dma_wait3A_359 = tpu.memref_slice %arg2[%squeeze3A_14, %dma_wait3A_357, %dma_wait3A_358] : memref<1000x768x128xf32, #tpu.memory_space<hbm>> -> memref<1x384x128xf32, #tpu.memory_space<hbm>>
    %dma_wait3A_360 = tpu.memref_squeeze %dma_wait3A_359 : memref<1x384x128xf32, #tpu.memory_space<hbm>> -> memref<384x128xf32, #tpu.memory_space<hbm>>
    %dma_wait3A_361 = arith.constant 0 : i32
    %dma_wait3A_362 = arith.constant 0 : i32
    %dma_wait3A_363 = tpu.memref_slice %arg2[%squeeze3A_14, %dma_wait3A_361, %dma_wait3A_362] : memref<1000x768x128xf32, #tpu.memory_space<hbm>> -> memref<1x384x128xf32, #tpu.memory_space<hbm>>
    %dma_wait3A_364 = tpu.memref_squeeze %dma_wait3A_363 : memref<1x384x128xf32, #tpu.memory_space<hbm>> -> memref<384x128xf32, #tpu.memory_space<hbm>>
    tpu.wait_dma2 semaphore(%arg8 : memref<!tpu.dma_semaphore, #tpu.memory_space<semaphore_mem>>) src(%dma_wait3A_364 : memref<384x128xf32, #tpu.memory_space<hbm>>) dst(%arg6 : memref<384x128xf32, #tpu.memory_space<vmem>>)
    %dma_wait3A_365 = arith.constant 384 : i32
    %dma_wait3A_366 = arith.constant 0 : i32
    %dma_wait3A_367 = tpu.memref_slice %arg4[%add3A_348, %dma_wait3A_365, %dma_wait3A_366] : memref<256x768x128xf32, #tpu.memory_space<hbm>> -> memref<1x384x128xf32, #tpu.memory_space<hbm>>
    %dma_wait3A_368 = tpu.memref_squeeze %dma_wait3A_367 : memref<1x384x128xf32, #tpu.memory_space<hbm>> -> memref<384x128xf32, #tpu.memory_space<hbm>>
    %dma_wait3A_369 = arith.constant 384 : i32
    %dma_wait3A_370 = arith.constant 0 : i32
    %dma_wait3A_371 = tpu.memref_slice %arg4[%add3A_348, %dma_wait3A_369, %dma_wait3A_370] : memref<256x768x128xf32, #tpu.memory_space<hbm>> -> memref<1x384x128xf32, #tpu.memory_space<hbm>>
    %dma_wait3A_372 = tpu.memref_squeeze %dma_wait3A_371 : memref<1x384x128xf32, #tpu.memory_space<hbm>> -> memref<384x128xf32, #tpu.memory_space<hbm>>
    tpu.wait_dma2 semaphore(%arg11 : memref<!tpu.dma_semaphore, #tpu.memory_space<semaphore_mem>>) src(%arg7 : memref<384x128xf32, #tpu.memory_space<vmem>>) dst(%dma_wait3A_372 : memref<384x128xf32, #tpu.memory_space<hbm>>)
    %dma_start3A_373 = arith.constant 384 : i32
    %dma_start3A_374 = arith.constant 0 : i32
    %dma_start3A_375 = tpu.memref_slice %arg2[%squeeze3A_14, %dma_start3A_373, %dma_start3A_374] : memref<1000x768x128xf32, #tpu.memory_space<hbm>> -> memref<1x384x128xf32, #tpu.memory_space<hbm>>
    %dma_start3A_376 = tpu.memref_squeeze %dma_start3A_375 : memref<1x384x128xf32, #tpu.memory_space<hbm>> -> memref<384x128xf32, #tpu.memory_space<hbm>>
    %dma_start3A_377 = arith.constant 384 : i32
    %dma_start3A_378 = arith.constant 0 : i32
    %dma_start3A_379 = tpu.memref_slice %arg2[%squeeze3A_14, %dma_start3A_377, %dma_start3A_378] : memref<1000x768x128xf32, #tpu.memory_space<hbm>> -> memref<1x384x128xf32, #tpu.memory_space<hbm>>
    %dma_start3A_380 = tpu.memref_squeeze %dma_start3A_379 : memref<1x384x128xf32, #tpu.memory_space<hbm>> -> memref<384x128xf32, #tpu.memory_space<hbm>>
    tpu.enqueue_dma source(%dma_start3A_380 : memref<384x128xf32, #tpu.memory_space<hbm>>) target(%arg7 : memref<384x128xf32, #tpu.memory_space<vmem>>) target_semaphore(%arg9 : memref<!tpu.dma_semaphore, #tpu.memory_space<semaphore_mem>>)
    %add3A_381 = arith.constant 5 : i32
    %add3A_382 = arith.addi %mul3A_2, %add3A_381 : i32
    %dma_start3A_383 = arith.constant 0 : i32
    %dma_start3A_384 = arith.constant 0 : i32
    %dma_start3A_385 = tpu.memref_slice %arg4[%add3A_382, %dma_start3A_383, %dma_start3A_384] : memref<256x768x128xf32, #tpu.memory_space<hbm>> -> memref<1x384x128xf32, #tpu.memory_space<hbm>>
    %dma_start3A_386 = tpu.memref_squeeze %dma_start3A_385 : memref<1x384x128xf32, #tpu.memory_space<hbm>> -> memref<384x128xf32, #tpu.memory_space<hbm>>
    %dma_start3A_387 = arith.constant 0 : i32
    %dma_start3A_388 = arith.constant 0 : i32
    %dma_start3A_389 = tpu.memref_slice %arg4[%add3A_382, %dma_start3A_387, %dma_start3A_388] : memref<256x768x128xf32, #tpu.memory_space<hbm>> -> memref<1x384x128xf32, #tpu.memory_space<hbm>>
    %dma_start3A_390 = tpu.memref_squeeze %dma_start3A_389 : memref<1x384x128xf32, #tpu.memory_space<hbm>> -> memref<384x128xf32, #tpu.memory_space<hbm>>
    tpu.enqueue_dma source(%arg6 : memref<384x128xf32, #tpu.memory_space<vmem>>) target(%dma_start3A_390 : memref<384x128xf32, #tpu.memory_space<hbm>>) target_semaphore(%arg10 : memref<!tpu.dma_semaphore, #tpu.memory_space<semaphore_mem>>)
    %dma_wait3A_391 = arith.constant 384 : i32
    %dma_wait3A_392 = arith.constant 0 : i32
    %dma_wait3A_393 = tpu.memref_slice %arg2[%squeeze3A_14, %dma_wait3A_391, %dma_wait3A_392] : memref<1000x768x128xf32, #tpu.memory_space<hbm>> -> memref<1x384x128xf32, #tpu.memory_space<hbm>>
    %dma_wait3A_394 = tpu.memref_squeeze %dma_wait3A_393 : memref<1x384x128xf32, #tpu.memory_space<hbm>> -> memref<384x128xf32, #tpu.memory_space<hbm>>
    %dma_wait3A_395 = arith.constant 384 : i32
    %dma_wait3A_396 = arith.constant 0 : i32
    %dma_wait3A_397 = tpu.memref_slice %arg2[%squeeze3A_14, %dma_wait3A_395, %dma_wait3A_396] : memref<1000x768x128xf32, #tpu.memory_space<hbm>> -> memref<1x384x128xf32, #tpu.memory_space<hbm>>
    %dma_wait3A_398 = tpu.memref_squeeze %dma_wait3A_397 : memref<1x384x128xf32, #tpu.memory_space<hbm>> -> memref<384x128xf32, #tpu.memory_space<hbm>>
    tpu.wait_dma2 semaphore(%arg9 : memref<!tpu.dma_semaphore, #tpu.memory_space<semaphore_mem>>) src(%dma_wait3A_398 : memref<384x128xf32, #tpu.memory_space<hbm>>) dst(%arg7 : memref<384x128xf32, #tpu.memory_space<vmem>>)
    %dma_wait3A_399 = arith.constant 0 : i32
    %dma_wait3A_400 = arith.constant 0 : i32
    %dma_wait3A_401 = tpu.memref_slice %arg4[%add3A_382, %dma_wait3A_399, %dma_wait3A_400] : memref<256x768x128xf32, #tpu.memory_space<hbm>> -> memref<1x384x128xf32, #tpu.memory_space<hbm>>
    %dma_wait3A_402 = tpu.memref_squeeze %dma_wait3A_401 : memref<1x384x128xf32, #tpu.memory_space<hbm>> -> memref<384x128xf32, #tpu.memory_space<hbm>>
    %dma_wait3A_403 = arith.constant 0 : i32
    %dma_wait3A_404 = arith.constant 0 : i32
    %dma_wait3A_405 = tpu.memref_slice %arg4[%add3A_382, %dma_wait3A_403, %dma_wait3A_404] : memref<256x768x128xf32, #tpu.memory_space<hbm>> -> memref<1x384x128xf32, #tpu.memory_space<hbm>>
    %dma_wait3A_406 = tpu.memref_squeeze %dma_wait3A_405 : memref<1x384x128xf32, #tpu.memory_space<hbm>> -> memref<384x128xf32, #tpu.memory_space<hbm>>
    tpu.wait_dma2 semaphore(%arg10 : memref<!tpu.dma_semaphore, #tpu.memory_space<semaphore_mem>>) src(%arg6 : memref<384x128xf32, #tpu.memory_space<vmem>>) dst(%dma_wait3A_406 : memref<384x128xf32, #tpu.memory_space<hbm>>)
    %dma_start3A_407 = arith.constant 0 : i32
    %dma_start3A_408 = arith.constant 0 : i32
    %dma_start3A_409 = tpu.memref_slice %arg2[%squeeze3A_16, %dma_start3A_407, %dma_start3A_408] : memref<1000x768x128xf32, #tpu.memory_space<hbm>> -> memref<1x384x128xf32, #tpu.memory_space<hbm>>
    %dma_start3A_410 = tpu.memref_squeeze %dma_start3A_409 : memref<1x384x128xf32, #tpu.memory_space<hbm>> -> memref<384x128xf32, #tpu.memory_space<hbm>>
    %dma_start3A_411 = arith.constant 0 : i32
    %dma_start3A_412 = arith.constant 0 : i32
    %dma_start3A_413 = tpu.memref_slice %arg2[%squeeze3A_16, %dma_start3A_411, %dma_start3A_412] : memref<1000x768x128xf32, #tpu.memory_space<hbm>> -> memref<1x384x128xf32, #tpu.memory_space<hbm>>
    %dma_start3A_414 = tpu.memref_squeeze %dma_start3A_413 : memref<1x384x128xf32, #tpu.memory_space<hbm>> -> memref<384x128xf32, #tpu.memory_space<hbm>>
    tpu.enqueue_dma source(%dma_start3A_414 : memref<384x128xf32, #tpu.memory_space<hbm>>) target(%arg6 : memref<384x128xf32, #tpu.memory_space<vmem>>) target_semaphore(%arg8 : memref<!tpu.dma_semaphore, #tpu.memory_space<semaphore_mem>>)
    %add3A_415 = arith.constant 5 : i32
    %add3A_416 = arith.addi %mul3A_2, %add3A_415 : i32
    %dma_start3A_417 = arith.constant 384 : i32
    %dma_start3A_418 = arith.constant 0 : i32
    %dma_start3A_419 = tpu.memref_slice %arg4[%add3A_416, %dma_start3A_417, %dma_start3A_418] : memref<256x768x128xf32, #tpu.memory_space<hbm>> -> memref<1x384x128xf32, #tpu.memory_space<hbm>>
    %dma_start3A_420 = tpu.memref_squeeze %dma_start3A_419 : memref<1x384x128xf32, #tpu.memory_space<hbm>> -> memref<384x128xf32, #tpu.memory_space<hbm>>
    %dma_start3A_421 = arith.constant 384 : i32
    %dma_start3A_422 = arith.constant 0 : i32
    %dma_start3A_423 = tpu.memref_slice %arg4[%add3A_416, %dma_start3A_421, %dma_start3A_422] : memref<256x768x128xf32, #tpu.memory_space<hbm>> -> memref<1x384x128xf32, #tpu.memory_space<hbm>>
    %dma_start3A_424 = tpu.memref_squeeze %dma_start3A_423 : memref<1x384x128xf32, #tpu.memory_space<hbm>> -> memref<384x128xf32, #tpu.memory_space<hbm>>
    tpu.enqueue_dma source(%arg7 : memref<384x128xf32, #tpu.memory_space<vmem>>) target(%dma_start3A_424 : memref<384x128xf32, #tpu.memory_space<hbm>>) target_semaphore(%arg11 : memref<!tpu.dma_semaphore, #tpu.memory_space<semaphore_mem>>)
    %dma_wait3A_425 = arith.constant 0 : i32
    %dma_wait3A_426 = arith.constant 0 : i32
    %dma_wait3A_427 = tpu.memref_slice %arg2[%squeeze3A_16, %dma_wait3A_425, %dma_wait3A_426] : memref<1000x768x128xf32, #tpu.memory_space<hbm>> -> memref<1x384x128xf32, #tpu.memory_space<hbm>>
    %dma_wait3A_428 = tpu.memref_squeeze %dma_wait3A_427 : memref<1x384x128xf32, #tpu.memory_space<hbm>> -> memref<384x128xf32, #tpu.memory_space<hbm>>
    %dma_wait3A_429 = arith.constant 0 : i32
    %dma_wait3A_430 = arith.constant 0 : i32
    %dma_wait3A_431 = tpu.memref_slice %arg2[%squeeze3A_16, %dma_wait3A_429, %dma_wait3A_430] : memref<1000x768x128xf32, #tpu.memory_space<hbm>> -> memref<1x384x128xf32, #tpu.memory_space<hbm>>
    %dma_wait3A_432 = tpu.memref_squeeze %dma_wait3A_431 : memref<1x384x128xf32, #tpu.memory_space<hbm>> -> memref<384x128xf32, #tpu.memory_space<hbm>>
    tpu.wait_dma2 semaphore(%arg8 : memref<!tpu.dma_semaphore, #tpu.memory_space<semaphore_mem>>) src(%dma_wait3A_432 : memref<384x128xf32, #tpu.memory_space<hbm>>) dst(%arg6 : memref<384x128xf32, #tpu.memory_space<vmem>>)
    %dma_wait3A_433 = arith.constant 384 : i32
    %dma_wait3A_434 = arith.constant 0 : i32
    %dma_wait3A_435 = tpu.memref_slice %arg4[%add3A_416, %dma_wait3A_433, %dma_wait3A_434] : memref<256x768x128xf32, #tpu.memory_space<hbm>> -> memref<1x384x128xf32, #tpu.memory_space<hbm>>
    %dma_wait3A_436 = tpu.memref_squeeze %dma_wait3A_435 : memref<1x384x128xf32, #tpu.memory_space<hbm>> -> memref<384x128xf32, #tpu.memory_space<hbm>>
    %dma_wait3A_437 = arith.constant 384 : i32
    %dma_wait3A_438 = arith.constant 0 : i32
    %dma_wait3A_439 = tpu.memref_slice %arg4[%add3A_416, %dma_wait3A_437, %dma_wait3A_438] : memref<256x768x128xf32, #tpu.memory_space<hbm>> -> memref<1x384x128xf32, #tpu.memory_space<hbm>>
    %dma_wait3A_440 = tpu.memref_squeeze %dma_wait3A_439 : memref<1x384x128xf32, #tpu.memory_space<hbm>> -> memref<384x128xf32, #tpu.memory_space<hbm>>
    tpu.wait_dma2 semaphore(%arg11 : memref<!tpu.dma_semaphore, #tpu.memory_space<semaphore_mem>>) src(%arg7 : memref<384x128xf32, #tpu.memory_space<vmem>>) dst(%dma_wait3A_440 : memref<384x128xf32, #tpu.memory_space<hbm>>)
    %dma_start3A_441 = arith.constant 384 : i32
    %dma_start3A_442 = arith.constant 0 : i32
    %dma_start3A_443 = tpu.memref_slice %arg2[%squeeze3A_16, %dma_start3A_441, %dma_start3A_442] : memref<1000x768x128xf32, #tpu.memory_space<hbm>> -> memref<1x384x128xf32, #tpu.memory_space<hbm>>
    %dma_start3A_444 = tpu.memref_squeeze %dma_start3A_443 : memref<1x384x128xf32, #tpu.memory_space<hbm>> -> memref<384x128xf32, #tpu.memory_space<hbm>>
    %dma_start3A_445 = arith.constant 384 : i32
    %dma_start3A_446 = arith.constant 0 : i32
    %dma_start3A_447 = tpu.memref_slice %arg2[%squeeze3A_16, %dma_start3A_445, %dma_start3A_446] : memref<1000x768x128xf32, #tpu.memory_space<hbm>> -> memref<1x384x128xf32, #tpu.memory_space<hbm>>
    %dma_start3A_448 = tpu.memref_squeeze %dma_start3A_447 : memref<1x384x128xf32, #tpu.memory_space<hbm>> -> memref<384x128xf32, #tpu.memory_space<hbm>>
    tpu.enqueue_dma source(%dma_start3A_448 : memref<384x128xf32, #tpu.memory_space<hbm>>) target(%arg7 : memref<384x128xf32, #tpu.memory_space<vmem>>) target_semaphore(%arg9 : memref<!tpu.dma_semaphore, #tpu.memory_space<semaphore_mem>>)
    %add3A_449 = arith.constant 6 : i32
    %add3A_450 = arith.addi %mul3A_2, %add3A_449 : i32
    %dma_start3A_451 = arith.constant 0 : i32
    %dma_start3A_452 = arith.constant 0 : i32
    %dma_start3A_453 = tpu.memref_slice %arg4[%add3A_450, %dma_start3A_451, %dma_start3A_452] : memref<256x768x128xf32, #tpu.memory_space<hbm>> -> memref<1x384x128xf32, #tpu.memory_space<hbm>>
    %dma_start3A_454 = tpu.memref_squeeze %dma_start3A_453 : memref<1x384x128xf32, #tpu.memory_space<hbm>> -> memref<384x128xf32, #tpu.memory_space<hbm>>
    %dma_start3A_455 = arith.constant 0 : i32
    %dma_start3A_456 = arith.constant 0 : i32
    %dma_start3A_457 = tpu.memref_slice %arg4[%add3A_450, %dma_start3A_455, %dma_start3A_456] : memref<256x768x128xf32, #tpu.memory_space<hbm>> -> memref<1x384x128xf32, #tpu.memory_space<hbm>>
    %dma_start3A_458 = tpu.memref_squeeze %dma_start3A_457 : memref<1x384x128xf32, #tpu.memory_space<hbm>> -> memref<384x128xf32, #tpu.memory_space<hbm>>
    tpu.enqueue_dma source(%arg6 : memref<384x128xf32, #tpu.memory_space<vmem>>) target(%dma_start3A_458 : memref<384x128xf32, #tpu.memory_space<hbm>>) target_semaphore(%arg10 : memref<!tpu.dma_semaphore, #tpu.memory_space<semaphore_mem>>)
    %dma_wait3A_459 = arith.constant 384 : i32
    %dma_wait3A_460 = arith.constant 0 : i32
    %dma_wait3A_461 = tpu.memref_slice %arg2[%squeeze3A_16, %dma_wait3A_459, %dma_wait3A_460] : memref<1000x768x128xf32, #tpu.memory_space<hbm>> -> memref<1x384x128xf32, #tpu.memory_space<hbm>>
    %dma_wait3A_462 = tpu.memref_squeeze %dma_wait3A_461 : memref<1x384x128xf32, #tpu.memory_space<hbm>> -> memref<384x128xf32, #tpu.memory_space<hbm>>
    %dma_wait3A_463 = arith.constant 384 : i32
    %dma_wait3A_464 = arith.constant 0 : i32
    %dma_wait3A_465 = tpu.memref_slice %arg2[%squeeze3A_16, %dma_wait3A_463, %dma_wait3A_464] : memref<1000x768x128xf32, #tpu.memory_space<hbm>> -> memref<1x384x128xf32, #tpu.memory_space<hbm>>
    %dma_wait3A_466 = tpu.memref_squeeze %dma_wait3A_465 : memref<1x384x128xf32, #tpu.memory_space<hbm>> -> memref<384x128xf32, #tpu.memory_space<hbm>>
    tpu.wait_dma2 semaphore(%arg9 : memref<!tpu.dma_semaphore, #tpu.memory_space<semaphore_mem>>) src(%dma_wait3A_466 : memref<384x128xf32, #tpu.memory_space<hbm>>) dst(%arg7 : memref<384x128xf32, #tpu.memory_space<vmem>>)
    %dma_wait3A_467 = arith.constant 0 : i32
    %dma_wait3A_468 = arith.constant 0 : i32
    %dma_wait3A_469 = tpu.memref_slice %arg4[%add3A_450, %dma_wait3A_467, %dma_wait3A_468] : memref<256x768x128xf32, #tpu.memory_space<hbm>> -> memref<1x384x128xf32, #tpu.memory_space<hbm>>
    %dma_wait3A_470 = tpu.memref_squeeze %dma_wait3A_469 : memref<1x384x128xf32, #tpu.memory_space<hbm>> -> memref<384x128xf32, #tpu.memory_space<hbm>>
    %dma_wait3A_471 = arith.constant 0 : i32
    %dma_wait3A_472 = arith.constant 0 : i32
    %dma_wait3A_473 = tpu.memref_slice %arg4[%add3A_450, %dma_wait3A_471, %dma_wait3A_472] : memref<256x768x128xf32, #tpu.memory_space<hbm>> -> memref<1x384x128xf32, #tpu.memory_space<hbm>>
    %dma_wait3A_474 = tpu.memref_squeeze %dma_wait3A_473 : memref<1x384x128xf32, #tpu.memory_space<hbm>> -> memref<384x128xf32, #tpu.memory_space<hbm>>
    tpu.wait_dma2 semaphore(%arg10 : memref<!tpu.dma_semaphore, #tpu.memory_space<semaphore_mem>>) src(%arg6 : memref<384x128xf32, #tpu.memory_space<vmem>>) dst(%dma_wait3A_474 : memref<384x128xf32, #tpu.memory_space<hbm>>)
    %dma_start3A_475 = arith.constant 0 : i32
    %dma_start3A_476 = arith.constant 0 : i32
    %dma_start3A_477 = tpu.memref_slice %arg2[%squeeze3A_18, %dma_start3A_475, %dma_start3A_476] : memref<1000x768x128xf32, #tpu.memory_space<hbm>> -> memref<1x384x128xf32, #tpu.memory_space<hbm>>
    %dma_start3A_478 = tpu.memref_squeeze %dma_start3A_477 : memref<1x384x128xf32, #tpu.memory_space<hbm>> -> memref<384x128xf32, #tpu.memory_space<hbm>>
    %dma_start3A_479 = arith.constant 0 : i32
    %dma_start3A_480 = arith.constant 0 : i32
    %dma_start3A_481 = tpu.memref_slice %arg2[%squeeze3A_18, %dma_start3A_479, %dma_start3A_480] : memref<1000x768x128xf32, #tpu.memory_space<hbm>> -> memref<1x384x128xf32, #tpu.memory_space<hbm>>
    %dma_start3A_482 = tpu.memref_squeeze %dma_start3A_481 : memref<1x384x128xf32, #tpu.memory_space<hbm>> -> memref<384x128xf32, #tpu.memory_space<hbm>>
    tpu.enqueue_dma source(%dma_start3A_482 : memref<384x128xf32, #tpu.memory_space<hbm>>) target(%arg6 : memref<384x128xf32, #tpu.memory_space<vmem>>) target_semaphore(%arg8 : memref<!tpu.dma_semaphore, #tpu.memory_space<semaphore_mem>>)
    %add3A_483 = arith.constant 6 : i32
    %add3A_484 = arith.addi %mul3A_2, %add3A_483 : i32
    %dma_start3A_485 = arith.constant 384 : i32
    %dma_start3A_486 = arith.constant 0 : i32
    %dma_start3A_487 = tpu.memref_slice %arg4[%add3A_484, %dma_start3A_485, %dma_start3A_486] : memref<256x768x128xf32, #tpu.memory_space<hbm>> -> memref<1x384x128xf32, #tpu.memory_space<hbm>>
    %dma_start3A_488 = tpu.memref_squeeze %dma_start3A_487 : memref<1x384x128xf32, #tpu.memory_space<hbm>> -> memref<384x128xf32, #tpu.memory_space<hbm>>
    %dma_start3A_489 = arith.constant 384 : i32
    %dma_start3A_490 = arith.constant 0 : i32
    %dma_start3A_491 = tpu.memref_slice %arg4[%add3A_484, %dma_start3A_489, %dma_start3A_490] : memref<256x768x128xf32, #tpu.memory_space<hbm>> -> memref<1x384x128xf32, #tpu.memory_space<hbm>>
    %dma_start3A_492 = tpu.memref_squeeze %dma_start3A_491 : memref<1x384x128xf32, #tpu.memory_space<hbm>> -> memref<384x128xf32, #tpu.memory_space<hbm>>
    tpu.enqueue_dma source(%arg7 : memref<384x128xf32, #tpu.memory_space<vmem>>) target(%dma_start3A_492 : memref<384x128xf32, #tpu.memory_space<hbm>>) target_semaphore(%arg11 : memref<!tpu.dma_semaphore, #tpu.memory_space<semaphore_mem>>)
    %dma_wait3A_493 = arith.constant 0 : i32
    %dma_wait3A_494 = arith.constant 0 : i32
    %dma_wait3A_495 = tpu.memref_slice %arg2[%squeeze3A_18, %dma_wait3A_493, %dma_wait3A_494] : memref<1000x768x128xf32, #tpu.memory_space<hbm>> -> memref<1x384x128xf32, #tpu.memory_space<hbm>>
    %dma_wait3A_496 = tpu.memref_squeeze %dma_wait3A_495 : memref<1x384x128xf32, #tpu.memory_space<hbm>> -> memref<384x128xf32, #tpu.memory_space<hbm>>
    %dma_wait3A_497 = arith.constant 0 : i32
    %dma_wait3A_498 = arith.constant 0 : i32
    %dma_wait3A_499 = tpu.memref_slice %arg2[%squeeze3A_18, %dma_wait3A_497, %dma_wait3A_498] : memref<1000x768x128xf32, #tpu.memory_space<hbm>> -> memref<1x384x128xf32, #tpu.memory_space<hbm>>
    %dma_wait3A_500 = tpu.memref_squeeze %dma_wait3A_499 : memref<1x384x128xf32, #tpu.memory_space<hbm>> -> memref<384x128xf32, #tpu.memory_space<hbm>>
    tpu.wait_dma2 semaphore(%arg8 : memref<!tpu.dma_semaphore, #tpu.memory_space<semaphore_mem>>) src(%dma_wait3A_500 : memref<384x128xf32, #tpu.memory_space<hbm>>) dst(%arg6 : memref<384x128xf32, #tpu.memory_space<vmem>>)
    %dma_wait3A_501 = arith.constant 384 : i32
    %dma_wait3A_502 = arith.constant 0 : i32
    %dma_wait3A_503 = tpu.memref_slice %arg4[%add3A_484, %dma_wait3A_501, %dma_wait3A_502] : memref<256x768x128xf32, #tpu.memory_space<hbm>> -> memref<1x384x128xf32, #tpu.memory_space<hbm>>
    %dma_wait3A_504 = tpu.memref_squeeze %dma_wait3A_503 : memref<1x384x128xf32, #tpu.memory_space<hbm>> -> memref<384x128xf32, #tpu.memory_space<hbm>>
    %dma_wait3A_505 = arith.constant 384 : i32
    %dma_wait3A_506 = arith.constant 0 : i32
    %dma_wait3A_507 = tpu.memref_slice %arg4[%add3A_484, %dma_wait3A_505, %dma_wait3A_506] : memref<256x768x128xf32, #tpu.memory_space<hbm>> -> memref<1x384x128xf32, #tpu.memory_space<hbm>>
    %dma_wait3A_508 = tpu.memref_squeeze %dma_wait3A_507 : memref<1x384x128xf32, #tpu.memory_space<hbm>> -> memref<384x128xf32, #tpu.memory_space<hbm>>
    tpu.wait_dma2 semaphore(%arg11 : memref<!tpu.dma_semaphore, #tpu.memory_space<semaphore_mem>>) src(%arg7 : memref<384x128xf32, #tpu.memory_space<vmem>>) dst(%dma_wait3A_508 : memref<384x128xf32, #tpu.memory_space<hbm>>)
    %dma_start3A_509 = arith.constant 384 : i32
    %dma_start3A_510 = arith.constant 0 : i32
    %dma_start3A_511 = tpu.memref_slice %arg2[%squeeze3A_18, %dma_start3A_509, %dma_start3A_510] : memref<1000x768x128xf32, #tpu.memory_space<hbm>> -> memref<1x384x128xf32, #tpu.memory_space<hbm>>
    %dma_start3A_512 = tpu.memref_squeeze %dma_start3A_511 : memref<1x384x128xf32, #tpu.memory_space<hbm>> -> memref<384x128xf32, #tpu.memory_space<hbm>>
    %dma_start3A_513 = arith.constant 384 : i32
    %dma_start3A_514 = arith.constant 0 : i32
    %dma_start3A_515 = tpu.memref_slice %arg2[%squeeze3A_18, %dma_start3A_513, %dma_start3A_514] : memref<1000x768x128xf32, #tpu.memory_space<hbm>> -> memref<1x384x128xf32, #tpu.memory_space<hbm>>
    %dma_start3A_516 = tpu.memref_squeeze %dma_start3A_515 : memref<1x384x128xf32, #tpu.memory_space<hbm>> -> memref<384x128xf32, #tpu.memory_space<hbm>>
    tpu.enqueue_dma source(%dma_start3A_516 : memref<384x128xf32, #tpu.memory_space<hbm>>) target(%arg7 : memref<384x128xf32, #tpu.memory_space<vmem>>) target_semaphore(%arg9 : memref<!tpu.dma_semaphore, #tpu.memory_space<semaphore_mem>>)
    %add3A_517 = arith.constant 7 : i32
    %add3A_518 = arith.addi %mul3A_2, %add3A_517 : i32
    %dma_start3A_519 = arith.constant 0 : i32
    %dma_start3A_520 = arith.constant 0 : i32
    %dma_start3A_521 = tpu.memref_slice %arg4[%add3A_518, %dma_start3A_519, %dma_start3A_520] : memref<256x768x128xf32, #tpu.memory_space<hbm>> -> memref<1x384x128xf32, #tpu.memory_space<hbm>>
    %dma_start3A_522 = tpu.memref_squeeze %dma_start3A_521 : memref<1x384x128xf32, #tpu.memory_space<hbm>> -> memref<384x128xf32, #tpu.memory_space<hbm>>
    %dma_start3A_523 = arith.constant 0 : i32
    %dma_start3A_524 = arith.constant 0 : i32
    %dma_start3A_525 = tpu.memref_slice %arg4[%add3A_518, %dma_start3A_523, %dma_start3A_524] : memref<256x768x128xf32, #tpu.memory_space<hbm>> -> memref<1x384x128xf32, #tpu.memory_space<hbm>>
    %dma_start3A_526 = tpu.memref_squeeze %dma_start3A_525 : memref<1x384x128xf32, #tpu.memory_space<hbm>> -> memref<384x128xf32, #tpu.memory_space<hbm>>
    tpu.enqueue_dma source(%arg6 : memref<384x128xf32, #tpu.memory_space<vmem>>) target(%dma_start3A_526 : memref<384x128xf32, #tpu.memory_space<hbm>>) target_semaphore(%arg10 : memref<!tpu.dma_semaphore, #tpu.memory_space<semaphore_mem>>)
    %dma_wait3A_527 = arith.constant 384 : i32
    %dma_wait3A_528 = arith.constant 0 : i32
    %dma_wait3A_529 = tpu.memref_slice %arg2[%squeeze3A_18, %dma_wait3A_527, %dma_wait3A_528] : memref<1000x768x128xf32, #tpu.memory_space<hbm>> -> memref<1x384x128xf32, #tpu.memory_space<hbm>>
    %dma_wait3A_530 = tpu.memref_squeeze %dma_wait3A_529 : memref<1x384x128xf32, #tpu.memory_space<hbm>> -> memref<384x128xf32, #tpu.memory_space<hbm>>
    %dma_wait3A_531 = arith.constant 384 : i32
    %dma_wait3A_532 = arith.constant 0 : i32
    %dma_wait3A_533 = tpu.memref_slice %arg2[%squeeze3A_18, %dma_wait3A_531, %dma_wait3A_532] : memref<1000x768x128xf32, #tpu.memory_space<hbm>> -> memref<1x384x128xf32, #tpu.memory_space<hbm>>
    %dma_wait3A_534 = tpu.memref_squeeze %dma_wait3A_533 : memref<1x384x128xf32, #tpu.memory_space<hbm>> -> memref<384x128xf32, #tpu.memory_space<hbm>>
    tpu.wait_dma2 semaphore(%arg9 : memref<!tpu.dma_semaphore, #tpu.memory_space<semaphore_mem>>) src(%dma_wait3A_534 : memref<384x128xf32, #tpu.memory_space<hbm>>) dst(%arg7 : memref<384x128xf32, #tpu.memory_space<vmem>>)
    %add3A_535 = arith.constant 7 : i32
    %add3A_536 = arith.addi %mul3A_2, %add3A_535 : i32
    %dma_start3A_537 = arith.constant 384 : i32
    %dma_start3A_538 = arith.constant 0 : i32
    %dma_start3A_539 = tpu.memref_slice %arg4[%add3A_536, %dma_start3A_537, %dma_start3A_538] : memref<256x768x128xf32, #tpu.memory_space<hbm>> -> memref<1x384x128xf32, #tpu.memory_space<hbm>>
    %dma_start3A_540 = tpu.memref_squeeze %dma_start3A_539 : memref<1x384x128xf32, #tpu.memory_space<hbm>> -> memref<384x128xf32, #tpu.memory_space<hbm>>
    %dma_start3A_541 = arith.constant 384 : i32
    %dma_start3A_542 = arith.constant 0 : i32
    %dma_start3A_543 = tpu.memref_slice %arg4[%add3A_536, %dma_start3A_541, %dma_start3A_542] : memref<256x768x128xf32, #tpu.memory_space<hbm>> -> memref<1x384x128xf32, #tpu.memory_space<hbm>>
    %dma_start3A_544 = tpu.memref_squeeze %dma_start3A_543 : memref<1x384x128xf32, #tpu.memory_space<hbm>> -> memref<384x128xf32, #tpu.memory_space<hbm>>
    tpu.enqueue_dma source(%arg7 : memref<384x128xf32, #tpu.memory_space<vmem>>) target(%dma_start3A_544 : memref<384x128xf32, #tpu.memory_space<hbm>>) target_semaphore(%arg11 : memref<!tpu.dma_semaphore, #tpu.memory_space<semaphore_mem>>)
    %dma_wait3A_545 = arith.constant 0 : i32
    %dma_wait3A_546 = arith.constant 0 : i32
    %dma_wait3A_547 = tpu.memref_slice %arg4[%add3A_518, %dma_wait3A_545, %dma_wait3A_546] : memref<256x768x128xf32, #tpu.memory_space<hbm>> -> memref<1x384x128xf32, #tpu.memory_space<hbm>>
    %dma_wait3A_548 = tpu.memref_squeeze %dma_wait3A_547 : memref<1x384x128xf32, #tpu.memory_space<hbm>> -> memref<384x128xf32, #tpu.memory_space<hbm>>
    %dma_wait3A_549 = arith.constant 0 : i32
    %dma_wait3A_550 = arith.constant 0 : i32
    %dma_wait3A_551 = tpu.memref_slice %arg4[%add3A_518, %dma_wait3A_549, %dma_wait3A_550] : memref<256x768x128xf32, #tpu.memory_space<hbm>> -> memref<1x384x128xf32, #tpu.memory_space<hbm>>
    %dma_wait3A_552 = tpu.memref_squeeze %dma_wait3A_551 : memref<1x384x128xf32, #tpu.memory_space<hbm>> -> memref<384x128xf32, #tpu.memory_space<hbm>>
    tpu.wait_dma2 semaphore(%arg10 : memref<!tpu.dma_semaphore, #tpu.memory_space<semaphore_mem>>) src(%arg6 : memref<384x128xf32, #tpu.memory_space<vmem>>) dst(%dma_wait3A_552 : memref<384x128xf32, #tpu.memory_space<hbm>>)
    %dma_wait3A_553 = arith.constant 384 : i32
    %dma_wait3A_554 = arith.constant 0 : i32
    %dma_wait3A_555 = tpu.memref_slice %arg4[%add3A_536, %dma_wait3A_553, %dma_wait3A_554] : memref<256x768x128xf32, #tpu.memory_space<hbm>> -> memref<1x384x128xf32, #tpu.memory_space<hbm>>
    %dma_wait3A_556 = tpu.memref_squeeze %dma_wait3A_555 : memref<1x384x128xf32, #tpu.memory_space<hbm>> -> memref<384x128xf32, #tpu.memory_space<hbm>>
    %dma_wait3A_557 = arith.constant 384 : i32
    %dma_wait3A_558 = arith.constant 0 : i32
    %dma_wait3A_559 = tpu.memref_slice %arg4[%add3A_536, %dma_wait3A_557, %dma_wait3A_558] : memref<256x768x128xf32, #tpu.memory_space<hbm>> -> memref<1x384x128xf32, #tpu.memory_space<hbm>>
    %dma_wait3A_560 = tpu.memref_squeeze %dma_wait3A_559 : memref<1x384x128xf32, #tpu.memory_space<hbm>> -> memref<384x128xf32, #tpu.memory_space<hbm>>
    tpu.wait_dma2 semaphore(%arg11 : memref<!tpu.dma_semaphore, #tpu.memory_space<semaphore_mem>>) src(%arg7 : memref<384x128xf32, #tpu.memory_space<vmem>>) dst(%dma_wait3A_560 : memref<384x128xf32, #tpu.memory_space<hbm>>)
    return
  }
}

</mosaic_0001>

<sc_bundles>
// kernel: kernel.3.cloned.1.call-start
scs
__scs_entry_jumppad:
0x0: {  	(pc) =	sbr.rel $0x88, $3  }
0x1: {  	(tag) =	ssettag $0x0;
	lr =	simm.s32 $0x1  }
0x2: {  	[smem:$0x3F9F] =	sst lr;
	_ =	strace $0xD0000000  }
0x3: {  	_ = 	snop  }
0x4: {  	_ = 	snop  }
0x5: {  	_ = 	snop  }
0x6: {  	_ = 	snop  }
0x7: {  	_ = 	snop  }
__scs_overlays_trampoline_lowered:
0x8: {  	[smem:$0x3FAE] =	sst s0  }
0x9: {  	[smem:$0x3FAF] =	sst s1  }
0xa: {  	[smem:$0x3FB0] =	sst s2  }
0xb: {  	[smem:$0x3FB1] =	sst s3  }
0xc: {  	[smem:$0x3FB2] =	sst s4  }
0xd: {  	[smem:$0x3FB3] =	sst s5  }
0xe: {  	[smem:$0x3FB4] =	sst s6  }
0xf: {  	[smem:$0x3FB5] =	sst s7  }
0x10: {  	[smem:$0x3FB6] =	sst s8  }
0x11: {  	[smem:$0x3FB7] =	sst s9;
	s0 =	simm.s32 @!p0 $0x0  }
0x12: {  	s1 =	sld [smem:$0x3F9D];
	s0 =	simm.s32 @p0 $0x1  }
0x13: {  	[smem:$0x3FB8] =	sst s0;
	s0 =	simm.s32 @!p1 $0x0  }
0x14: {  	s2 =	sld [smem:$0x3F9C];
	s0 =	simm.s32 @p1 $0x1  }
0x15: {  	[smem:$0x3FB9] =	sst s0;
	s0 =	simm.s32 @!p2 $0x0  }
0x16: {  	s3 =	sld [smem:$0x3FDB];
	s0 =	simm.s32 @p2 $0x1  }
0x17: {  	s4 =	simm.s32 $0x1BF5;
	[smem:$0x3FBB] =	sst s0  }
0x18: {  	s0 =	sld [smem:$0x3F9E];
	_ =	swait.ge [sflag:s4], $0x0  }
0x19: {  	s7 =	sld [smem:$0x3F9F]  }
0x1a: {  	s8 =	sadd.s32 $0xFFFFE003, lr  }
0x1b: {  	s9 =	sadd.s32 $0xFFFFFEF7, lr;
	s5 =	simm.s32 $0xFFFFFFFF;
	p2 =	slt.u32 s8, $0xFFFFF086  }
0x1c: {  	p1 =	slt.u32 s9, $0xF7A;
	s5 =	simm.s32 @!p2 $0x0  }
0x1d: {  	s5 =	simm.s32 @p1 $0x1;
	p0 =	seq.s32 s7, s2  }
0x1e: {  	s7 =	smul.u32 @!p0 $0xF7A, s2;
	p2 =	seq.s32 @!p0 s5, $0x0  }
0x1f: {  	s9 =	smul.u32 $0xF7A, s1;
	s8 =	simm.s32 @!p0 $0x1BF5;
	p2 =	por !p2, p0  }
0x20: {  	[sflag:s8] =	ssyncset.s32 @!p0 $0xFFFFF086;
	s6 =	sadd.s32 @!p0 s3, s7;
	s7 =	simm.s32 @!p0 $0x108  }
0x21: {  	s3 =	sadd.s32 s3, s9;
	s6 =	sadd.s32 @!p0 $0x88, s6;
	s7 =	simm.s32 @p2 $0x1082  }
0x22: {  	[simem:s7], [sflag:s8] =	dma.local @!p0 [hbm:s6], $0xF7A  }
0x23: {  	s9 =	sor.u32 $0xD0000000, s2;
	s6 =	simm.s32 $0x108;
	_ =	swait.ge @!p0 [sflag:s8], $0x0  }
0x24: {  	s3 =	sadd.s32 $0x88, s3;
	s6 =	simm.s32 @!p1 $0x1082;
	[sflag:s4] =	ssyncset.s32 $0xFFFFF086  }
0x25: {  	[simem:s6], [sflag:s4] =	dma.local [hbm:s3], $0xF7A  }
0x26: {  	[smem:$0x3F9F] =	sst s1;
	(tag) =	ssettag s2;
	_ =	strace s9  }
0x27: {  	s1 =	sld [smem:$0x3FAF]  }
0x28: {  	s2 =	sld [smem:$0x3FB0]  }
0x29: {  	s4 =	sld [smem:$0x3FB2]  }
0x2a: {  	p0 =	seq.s32 s5, $0x0;
	s5 =	sld [smem:$0x3FB3]  }
0x2b: {  	s6 =	sld [smem:$0x3FB4]  }
0x2c: {  	s7 =	sld [smem:$0x3FB5]  }
0x2d: {  	s3 =	simm.s32 $0x108;
	s8 =	sld [smem:$0x3FB6]  }
0x2e: {  	s3 =	simm.s32 @!p0 $0x1082;
	s9 =	sld [smem:$0x3FB7]  }
0x2f: {  	lr =	sadd.s32 s0, s3;
	s0 =	sld [smem:$0x3FAE]  }
0x30: {  	s3 =	sld [smem:$0x3FB1]  }
0x31: {  	[smem:$0x3FBA] =	sst s10  }
0x32: {  	s10 =	sld [smem:$0x3FB8];
	_ =	sdelay $0x3  }
0x33: {  	p0 =	seq.s32 s10, $0x1;
	s10 =	sld [smem:$0x3FBA];
	_ =	sdelay $0x3  }
0x34: {  	[smem:$0x3FBA] =	sst s10  }
0x35: {  	s10 =	sld [smem:$0x3FB9];
	_ =	sdelay $0x3  }
0x36: {  	p1 =	seq.s32 s10, $0x1;
	s10 =	sld [smem:$0x3FBA];
	_ =	sdelay $0x3  }
0x37: {  	[smem:$0x3FBA] =	sst s10  }
0x38: {  	s10 =	sld [smem:$0x3FBB]  }
0x39: {  	_ = 	snop;
	(pc) =	sbr.ind lr, $3  }
0x3a: {  	_ = 	snop  }
0x3b: {  	_ = 	snop  }
0x3c: {  	p2 =	seq.s32 s10, $0x1;
	s10 =	sld [smem:$0x3FBA]  }
0x3d: {  	_ =	shalt  }
0x3e: {  	_ =	shalt  }
0x3f: {  	_ =	shalt  }
0x40: {  	_ =	shalt  }
0x41: {  	_ =	shalt  }
0x42: {  	_ =	shalt  }
0x43: {  	_ =	shalt  }
0x44: {  	_ =	shalt  }
0x45: {  	_ =	shalt  }
0x46: {  	_ =	shalt  }
0x47: {  	_ =	shalt  }
0x48: {  	_ =	shalt  }
0x49: {  	_ =	shalt  }
0x4a: {  	_ =	shalt  }
0x4b: {  	_ =	shalt  }
0x4c: {  	_ =	shalt  }
0x4d: {  	_ =	shalt  }
0x4e: {  	_ =	shalt  }
0x4f: {  	_ =	shalt  }
0x50: {  	_ =	shalt  }
0x51: {  	_ =	shalt  }
0x52: {  	_ =	shalt  }
0x53: {  	_ =	shalt  }
0x54: {  	_ =	shalt  }
0x55: {  	_ =	shalt  }
0x56: {  	_ =	shalt  }
0x57: {  	_ =	shalt  }
0x58: {  	_ =	shalt  }
0x59: {  	_ =	shalt  }
0x5a: {  	_ =	shalt  }
0x5b: {  	_ =	shalt  }
0x5c: {  	_ =	shalt  }
0x5d: {  	_ =	shalt  }
0x5e: {  	_ =	shalt  }
0x5f: {  	_ =	shalt  }
0x60: {  	_ =	shalt  }
0x61: {  	_ =	shalt  }
0x62: {  	_ =	shalt  }
0x63: {  	_ =	shalt  }
0x64: {  	_ =	shalt  }
0x65: {  	_ =	shalt  }
0x66: {  	_ =	shalt  }
0x67: {  	_ =	shalt  }
0x68: {  	_ =	shalt  }
0x69: {  	_ =	shalt  }
0x6a: {  	_ =	shalt  }
0x6b: {  	_ =	shalt  }
0x6c: {  	_ =	shalt  }
0x6d: {  	_ =	shalt  }
0x6e: {  	_ =	shalt  }
0x6f: {  	_ =	shalt  }
0x70: {  	_ =	shalt  }
0x71: {  	_ =	shalt  }
0x72: {  	_ =	shalt  }
0x73: {  	_ =	shalt  }
0x74: {  	_ =	shalt  }
0x75: {  	_ =	shalt  }
0x76: {  	_ =	shalt  }
0x77: {  	_ =	shalt  }
0x78: {  	_ =	shalt  }
0x79: {  	_ =	shalt  }
0x7a: {  	_ =	shalt  }
0x7b: {  	_ =	shalt  }
0x7c: {  	_ =	shalt  }
0x7d: {  	_ =	shalt  }
0x7e: {  	_ =	shalt  }
0x7f: {  	_ =	shalt  }
0x80: {  	_ =	shalt  }
0x81: {  	_ =	shalt  }
0x82: {  	_ =	shalt  }
0x83: {  	_ =	shalt  }
0x84: {  	_ =	shalt  }
0x85: {  	_ =	shalt  }
0x86: {  	_ =	shalt  }
0x87: {  	_ =	shalt  }
.Lfunc_end0:
.L_simem_size_0:
called_computation_lowered:
.L_overlay_start_0:
0x88: {  	s2 =	sld [smem:$0x3FD9]  }
0x89: {  	s3 =	sld [smem:$0x3FFE];
	_ =	sdelay $0x1  }
0x8a: {  	s1 =	srdreg.scid  }
0x8b: {  	s0 =	sand.u32 $0x1, s1  }
0x8c: {  	s18 =	sshll.u32 s0, $0xA;
	s2 =	sadd.s32 s3, s2  }
0x8d: {  	s2 =	sadd.s32 s2, s18  }
0x8e: {  	[smem:$0x3FC6] =	sst s2  }
0x8f: {  	_ = 	snop  }
0x90: {  	s2 =	sld [smem:$0x3FC9]  }
0x91: {  	s19 =	sld [smem:$0x3FC8]  }
0x92: {  	s4 =	sld [smem:$0x3FD0];
	(tm) =	ssettm $0x1  }
0x93: {  	s5 =	sld [smem:$0x3FFB];
	_ =	sdelay $0x3  }
0x94: {  	_ =	strace s5  }
0x95: {  	s5 =	sld [smem:$0x3FFC];
	_ =	sdelay $0x3  }
0x96: {  	_ =	strace s5  }
0x97: {  	s5 =	sld [smem:$0x3FFD];
	_ =	sdelay $0x3  }
0x98: {  	_ =	strace s5  }
0x99: {  	_ =	strace $0x8FFFFFFF  }
0x9a: {  	s20 =	sld [smem:$0x3FDB];
	_ =	sdelay $0x1  }
0x9b: {  	s6 =	simm.s32 $_scs_section_size  }
0x9c: {  	s7 =	simm.s32 $_size__tile_overlayer_lowered;
	s8 =	simm.s32 $_tile_overlayer_lowered  }
0x9d: {  	s23 =	simm.s32 $0x1BFF;
	s22 =	sshll.u32 s8, $0x1;
	s5 =	sadd.s32 s6, s20  }
0x9e: {  	s9 =	simm.s32 $0x0;
	s21 =	sshll.u32 s7, $0x1;
	s7 =	sadd.s32 s22, s5  }
0x9f: {  	[timem:s9], [sflag:s23] =	dma.local [hbm:s7], s21  }
0xa0: {  	_ =	swait.ge [sflag:s23], s21  }
0xa1: {  	s6 =	ssub.s32 $0x0, s21;
	[sflag:s23] =	ssyncset.done $0x0  }
0xa2: {  	[sflag:s23] =	ssyncadd.s32 s6;
	_ =	sdelay $0x1  }
0xa3: {  	s24 =	simm.s32 $0x1B8B  }
0xa4: {  	_ =	swait.ge [sflag:s24], $0x1  }
0xa5: {  	[sflag:s24] =	ssyncset.done $0x0  }
0xa6: {  	s25 =	simm.s32 $0x1B8E;
	[sflag:s24] =	ssyncadd.s32 $0xFFFFFFFF  }
0xa7: {  	s26 =	simm.s32 $execute0_lowered;
	[smem:$0x3FD2] =	sst s25  }
0xa8: {  	s6 =	sshll.u32 s26, $0x1;
	_ =	strace $0x80000046;
	[dreg:$0x1] =	wrdreg $0xFFFFFFFF  }
0xa9: {  	s28 =	simm.s32 $_size_execute0_lowered;
	s5 =	sadd.s32 s5, s6;
	[dreg:$0x0] =	wrdreg $0x0  }
0xaa: {  	s6 =	sshll.u32 s28, $0x1;
	[dreg:$0x2] =	wrdreg s5  }
0xab: {  	[dreg:$0x3] =	wrdreg s6  }
0xac: {  	[dreg:$0x4] =	wrdreg $0xC0  }
0xad: {  	_ =	task [dreg:s9], $0x5FFFF  }
0xae: {  	[dreg:$0x1] =	wrdreg $0xFFFFFFFF  }
0xaf: {  	[dreg:$0x0] =	wrdreg $0x60  }
0xb0: {  	[dreg:$0x2] =	wrdreg s19  }
0xb1: {  	[dreg:$0x3] =	wrdreg s2  }
0xb2: {  	[dreg:$0x4] =	wrdreg s4  }
0xb3: {  	[dreg:$0x5] =	wrdreg $0x9  }
0xb4: {  	_ =	task.clear_ibuf [dreg:s9], $0x6FFFF;
	_ =	strace $0x90000046  }
0xb5: {  	s29 =	simm.s32 $0x9;
	_ =	strace $0x80000048  }
0xb6: {  	_ =	swait.ge [sflag:s29], $0x1  }
0xb7: {  	[sflag:s29] =	ssyncadd.s32 $0xFFFFFFFF  }
0xb8: {  	_ =	strace $0x90000048  }
0xb9: {  	_ =	sfence  }
0xba: {  	s30 =	sld [smem:$0x0];
	_ =	sdelay $0x2  }
0xbb: {  	s31 =	sshll.u32 s1, $0xD;
	s1 =	sshrl.u32 s1, $0x2  }
0xbc: {  	s3 =	sand.u32 $0x4000, s31;
	s1 =	sadd.s32 s1, s30  }
0xbd: {  	s0 =	sor.u32 s3, s0;
	s1 =	sshll.u32 s1, $0x11  }
0xbe: {  	s0 =	sor.u32 s1, s0  }
0xbf: {  	s0 =	sadd.s32 $0x8F2B, s0  }
0xc0: {  	[sflag:s0] =	ssyncadd.remote.s32 $0x1  }
0xc1: {  	_ =	sfence.sel $0xFFFF  }
0xc2: {  	[dreg:$0x0] =	wrdreg $0xFFFFFFFF;
	(pc) =	sbr.abs _section_cstart, $3  }
0xc3: {  	[dreg:$0x1] =	wrdreg $0xFFFFFFFF  }
0xc4: {  	_ =	task.clear_ibuf [dreg:s9], $0x2FFFF;
	_ =	strace $0x9FFFFFFF  }
0xc5: {  	(tm) =	ssettm $0x7FFFFFFF  }
tec
execute0_lowered:
.L_overlay_start_1:
0x0: {  	(tag) =	ssettag $0x1  }
0x1: {  	s1 =	srdreg.scid  }
0x2: {  	s0 =	stileid.u32;
	s4 =	sand.u32 $0x1, s1  }
0x3: {  	s2 =	rddreg [dreg:$0x0];
	s14 =	sshll.u32 s0, $0x4;
	s3 =	sshll.u32 s4, $0x3  }
0x4: {  	s5 =	rddreg [dreg:$0x1];
	s6 =	sor.u32 s3, s14  }
0x5: {  	s7 =	rddreg [dreg:$0x2];
	s8 =	smul.u32 $0x18000, s6  }
0x6: {  	s1 =	rddreg [dreg:$0x3];
	s3 =	simm.s32 $0x0;
	s6 =	sshrl.u32 s6, $0x3  }
0x7: {  	[smem:$0x7FF] =	sst s3;
	s5 =	sadd.s32 s5, s6;
	s8 =	sshrl.u32 s8, $0x3  }
0x8: {  	_ =	strace $0x80000047;
	[dreg:$0x4] =	wrdreg s5;
	s10 =	sadd.s32 s7, s8  }
0x9: {  	s13 =	rddreg [dreg:$0x4];
	s15 =	sadd.s32 $0x1800, s10  }
0xa: {  	s16 =	sadd.s32 $0x3000, s10;
	[dreg:$0x5] =	wrdreg s15  }
0xb: {  	s11 =	simm.s32 $0x5;
	s17 =	sadd.s32 $0x4800, s10;
	[dreg:$0x6] =	wrdreg s16  }
0xc: {  	s9 =	simm.s32 $0x1;
	s18 =	sadd.s32 $0x6000, s10;
	[dreg:$0x7] =	wrdreg s17  }
0xd: {  	p0 =	por $0x0, $0x0;
	s19 =	sadd.s32 $0x7800, s10;
	[dreg:$0x8] =	wrdreg s18  }
0xe: {  	s4 =	ssub.s32 $0x2, s4;
	s20 =	sadd.s32 $0x9000, s10;
	[dreg:$0x9] =	wrdreg s19  }
0xf: {  	s30 =	sshrl.u32 s4, $0x1;
	s21 =	sadd.s32 $0xA800, s10;
	[dreg:$0xa] =	wrdreg s20  }
0x10: {  	s4 =	ssub.s32 s4, s30;
	s22 =	sadd.s32 $0xC000, s10;
	[dreg:$0xb] =	wrdreg s21  }
0x11: {  	s12 =	smax.u32 s4, $0x1;
	s23 =	sadd.s32 $0xD800, s10;
	[dreg:$0xc] =	wrdreg s22  }
0x12: {  	s6 =	simm.s32 $0xC080;
	s24 =	sadd.s32 $0xF000, s10;
	[dreg:$0xd] =	wrdreg s23  }
0x13: {  	p1 =	sne.s32 s12, $0x1;
	s25 =	sadd.s32 $0x10800, s10;
	[dreg:$0xe] =	wrdreg s24  }
.Ltmp0:
0x14: {  	s26 =	sadd.s32 $0x12000, s10;
	[dreg:$0xf] =	wrdreg s25;
	(pc) =	sbr.rel @!p1 .LBB2_3-.Ltmp0, $4  }
0x15: {  	s4 =	simm.s32 $0x4;
	s28 =	sadd.s32 $0x13800, s10;
	[dreg:$0x10] =	wrdreg s26  }
0x16: {  	s5 =	simm.s32 $0x3;
	s29 =	sadd.s32 $0x15000, s10;
	[dreg:$0x11] =	wrdreg s28  }
0x17: {  	s12 =	sadd.s32 $0xFFFFFFFF, s12;
	s31 =	sadd.s32 $0x16800, s10;
	[dreg:$0x12] =	wrdreg s29  }
0x18: {  	s8 =	simm.s32 $0x80;
	s7 =	simm.s32 $0x2;
	[dreg:$0x13] =	wrdreg s31  }
0x19: {  	[tilespmem:s3], [sflag:$0x5] =	stream.linear.gather [hbm4b:s13+s3], $0x8, $0x38;
	[tilespmem:$0x18080] =	vst v63  }
0x1a: {  	_ =	swait.ge [sflag:s11], $0x8  }
0x1b: {  	[sflag:s11] =	ssyncset.done $0x0  }
0x1c: {  	[sflag:s11] =	ssyncadd.s32 $0xFFFFFFF8  }
0x1d: {  	v0 =	vld [tilespmem:$0x0];
	_ =	sdelay $0x4  }
0x1e: {  	v0 =	vmul.u32 $0x18000, v0;
	_ =	sdelay $0x1  }
0x1f: {  	(v2sf) =	vpush v0, $0x0;
	_ =	sdelay $0x1  }
0x20: {  	(v2sf) =	vpush v0, $0x1;
	_ =	sdelay $0x3  }
0x21: {  	(v2sf) =	vpush v0, $0x2;
	_ =	sdelay $0x1  }
0x22: {  	(v2sf) =	vpush v0, $0x3;
	_ =	sdelay $0x3  }
0x23: {  	(v2sf) =	vpush v0, $0x4;
	_ =	sdelay $0x2  }
0x24: {  	(v2sf) =	vpush v0, $0x5;
	s21 =	spop (v2sf)  }
0x25: {  	s14 =	sshrl.u32 s21, $0x3  }
0x26: {  	(v2sf) =	vpush v0, $0x6;
	s18 =	spop (v2sf);
	s14 =	sadd.s32 s2, s14  }
0x27: {  	[tilespmem:s8], [sflag:$0x1] =	stream.linear.gather [hbm4b:s14+s3], $0xC000, $0x38;
	[tilespmem:$0x18080] =	vst v63  }
0x28: {  	s13 =	sadd.s32 $0xC000, s21;
	_ =	swait.ge [sflag:s9], $0xC000  }
0x29: {  	s13 =	sshrl.u32 s13, $0x3;
	[sflag:s9] =	ssyncset.done $0x0  }
0x2a: {  	s13 =	sadd.s32 s2, s13;
	s19 =	spop (v2sf);
	(v2sf) =	vpush v0, $0x7;
	[sflag:s9] =	ssyncadd.s32 $0xFFFF4000  }
0x2b: {  	[tilespmem:s6], [sflag:$0x2] =	stream.linear.gather [hbm4b:s13+s3], $0xC000, $0x38;
	[tilespmem:$0x18080] =	vst v63  }
0x2c: {  	s17 =	spop (v2sf)  }
0x2d: {  	[hbm4b:s10+s3] =	stream.linear.scatter [tilespmem:s8], [sflag:$0x3], $0xC000, $0x38;
	[tilespmem:$0x18080] =	vst v63  }
0x2e: {  	_ =	swait.ge [sflag:s7], $0xC000  }
0x2f: {  	[sflag:s7] =	ssyncset.done $0x0  }
0x30: {  	s16 =	spop (v2sf);
	[sflag:s7] =	ssyncadd.s32 $0xFFFF4000  }
0x31: {  	_ =	swait.ge [sflag:s5], $0xC000  }
0x32: {  	s22 =	sshrl.u32 s18, $0x3;
	[sflag:s5] =	ssyncset.done $0x0  }
0x33: {  	s13 =	sadd.s32 s2, s22;
	s15 =	spop (v2sf);
	[sflag:s5] =	ssyncadd.s32 $0xFFFF4000  }
0x34: {  	[tilespmem:s8], [sflag:$0x1] =	stream.linear.gather [hbm4b:s13+s3], $0xC000, $0x38;
	[tilespmem:$0x18080] =	vst v63  }
0x35: {  	s20 =	rddreg [dreg:$0x5];
	s14 =	spop (v2sf)  }
0x36: {  	[hbm4b:s20+s3] =	stream.linear.scatter [tilespmem:s6], [sflag:$0x4], $0xC000, $0x38;
	[tilespmem:$0x18080] =	vst v63  }
0x37: {  	_ =	swait.ge [sflag:s9], $0xC000  }
0x38: {  	[sflag:s9] =	ssyncset.done $0x0  }
0x39: {  	s13 =	spop (v2sf);
	[sflag:s9] =	ssyncadd.s32 $0xFFFF4000  }
0x3a: {  	s18 =	sadd.s32 $0xC000, s18;
	_ =	swait.ge [sflag:s4], $0xC000  }
0x3b: {  	s18 =	sshrl.u32 s18, $0x3;
	[sflag:s4] =	ssyncset.done $0x0  }
0x3c: {  	s18 =	sadd.s32 s2, s18;
	[sflag:s4] =	ssyncadd.s32 $0xFFFF4000  }
0x3d: {  	[tilespmem:s6], [sflag:$0x2] =	stream.linear.gather [hbm4b:s18+s3], $0xC000, $0x38;
	[tilespmem:$0x18080] =	vst v63  }
0x3e: {  	s23 =	rddreg [dreg:$0x6]  }
0x3f: {  	[hbm4b:s23+s3] =	stream.linear.scatter [tilespmem:s8], [sflag:$0x3], $0xC000, $0x38;
	[tilespmem:$0x18080] =	vst v63  }
0x40: {  	_ =	swait.ge [sflag:s7], $0xC000  }
0x41: {  	[sflag:s7] =	ssyncset.done $0x0  }
0x42: {  	[sflag:s7] =	ssyncadd.s32 $0xFFFF4000  }
0x43: {  	_ =	swait.ge [sflag:s5], $0xC000  }
0x44: {  	s24 =	sshrl.u32 s19, $0x3;
	[sflag:s5] =	ssyncset.done $0x0  }
0x45: {  	s18 =	sadd.s32 s2, s24;
	[sflag:s5] =	ssyncadd.s32 $0xFFFF4000  }
0x46: {  	[tilespmem:s8], [sflag:$0x1] =	stream.linear.gather [hbm4b:s18+s3], $0xC000, $0x38;
	[tilespmem:$0x18080] =	vst v63  }
0x47: {  	s25 =	rddreg [dreg:$0x7]  }
0x48: {  	[hbm4b:s25+s3] =	stream.linear.scatter [tilespmem:s6], [sflag:$0x4], $0xC000, $0x38;
	[tilespmem:$0x18080] =	vst v63  }
0x49: {  	_ =	swait.ge [sflag:s9], $0xC000  }
0x4a: {  	[sflag:s9] =	ssyncset.done $0x0  }
0x4b: {  	[sflag:s9] =	ssyncadd.s32 $0xFFFF4000  }
0x4c: {  	s26 =	sadd.s32 $0xC000, s19;
	_ =	swait.ge [sflag:s4], $0xC000  }
0x4d: {  	s18 =	sshrl.u32 s26, $0x3;
	[sflag:s4] =	ssyncset.done $0x0  }
0x4e: {  	s18 =	sadd.s32 s2, s18;
	[sflag:s4] =	ssyncadd.s32 $0xFFFF4000  }
0x4f: {  	[tilespmem:s6], [sflag:$0x2] =	stream.linear.gather [hbm4b:s18+s3], $0xC000, $0x38;
	[tilespmem:$0x18080] =	vst v63  }
0x50: {  	s28 =	rddreg [dreg:$0x8]  }
0x51: {  	[hbm4b:s28+s3] =	stream.linear.scatter [tilespmem:s8], [sflag:$0x3], $0xC000, $0x38;
	[tilespmem:$0x18080] =	vst v63  }
0x52: {  	_ =	swait.ge [sflag:s7], $0xC000  }
0x53: {  	[sflag:s7] =	ssyncset.done $0x0  }
0x54: {  	[sflag:s7] =	ssyncadd.s32 $0xFFFF4000  }
0x55: {  	_ =	swait.ge [sflag:s5], $0xC000  }
0x56: {  	s29 =	sshrl.u32 s17, $0x3;
	[sflag:s5] =	ssyncset.done $0x0  }
0x57: {  	s18 =	sadd.s32 s2, s29;
	[sflag:s5] =	ssyncadd.s32 $0xFFFF4000  }
0x58: {  	[tilespmem:s8], [sflag:$0x1] =	stream.linear.gather [hbm4b:s18+s3], $0xC000, $0x38;
	[tilespmem:$0x18080] =	vst v63  }
0x59: {  	s30 =	rddreg [dreg:$0x9]  }
0x5a: {  	[hbm4b:s30+s3] =	stream.linear.scatter [tilespmem:s6], [sflag:$0x4], $0xC000, $0x38;
	[tilespmem:$0x18080] =	vst v63  }
0x5b: {  	_ =	swait.ge [sflag:s9], $0xC000  }
0x5c: {  	[sflag:s9] =	ssyncset.done $0x0  }
0x5d: {  	[sflag:s9] =	ssyncadd.s32 $0xFFFF4000  }
0x5e: {  	s17 =	sadd.s32 $0xC000, s17;
	_ =	swait.ge [sflag:s4], $0xC000  }
0x5f: {  	s17 =	sshrl.u32 s17, $0x3;
	[sflag:s4] =	ssyncset.done $0x0  }
0x60: {  	s17 =	sadd.s32 s2, s17;
	[sflag:s4] =	ssyncadd.s32 $0xFFFF4000  }
0x61: {  	[tilespmem:s6], [sflag:$0x2] =	stream.linear.gather [hbm4b:s17+s3], $0xC000, $0x38;
	[tilespmem:$0x18080] =	vst v63  }
0x62: {  	s31 =	rddreg [dreg:$0xa]  }
0x63: {  	[hbm4b:s31+s3] =	stream.linear.scatter [tilespmem:s8], [sflag:$0x3], $0xC000, $0x38;
	[tilespmem:$0x18080] =	vst v63  }
0x64: {  	_ =	swait.ge [sflag:s7], $0xC000  }
0x65: {  	[sflag:s7] =	ssyncset.done $0x0  }
0x66: {  	[sflag:s7] =	ssyncadd.s32 $0xFFFF4000  }
0x67: {  	_ =	swait.ge [sflag:s5], $0xC000  }
0x68: {  	s18 =	sshrl.u32 s16, $0x3;
	[sflag:s5] =	ssyncset.done $0x0  }
0x69: {  	s17 =	sadd.s32 s2, s18;
	[sflag:s5] =	ssyncadd.s32 $0xFFFF4000  }
0x6a: {  	[tilespmem:s8], [sflag:$0x1] =	stream.linear.gather [hbm4b:s17+s3], $0xC000, $0x38;
	[tilespmem:$0x18080] =	vst v63  }
0x6b: {  	s19 =	rddreg [dreg:$0xb]  }
0x6c: {  	[hbm4b:s19+s3] =	stream.linear.scatter [tilespmem:s6], [sflag:$0x4], $0xC000, $0x38;
	[tilespmem:$0x18080] =	vst v63  }
0x6d: {  	_ =	swait.ge [sflag:s9], $0xC000  }
0x6e: {  	[sflag:s9] =	ssyncset.done $0x0  }
0x6f: {  	[sflag:s9] =	ssyncadd.s32 $0xFFFF4000  }
0x70: {  	s16 =	sadd.s32 $0xC000, s16;
	_ =	swait.ge [sflag:s4], $0xC000  }
0x71: {  	s16 =	sshrl.u32 s16, $0x3;
	[sflag:s4] =	ssyncset.done $0x0  }
0x72: {  	s16 =	sadd.s32 s2, s16;
	[sflag:s4] =	ssyncadd.s32 $0xFFFF4000  }
0x73: {  	[tilespmem:s6], [sflag:$0x2] =	stream.linear.gather [hbm4b:s16+s3], $0xC000, $0x38;
	[tilespmem:$0x18080] =	vst v63  }
0x74: {  	s20 =	rddreg [dreg:$0xc]  }
0x75: {  	[hbm4b:s20+s3] =	stream.linear.scatter [tilespmem:s8], [sflag:$0x3], $0xC000, $0x38;
	[tilespmem:$0x18080] =	vst v63  }
0x76: {  	_ =	swait.ge [sflag:s7], $0xC000  }
0x77: {  	[sflag:s7] =	ssyncset.done $0x0  }
0x78: {  	[sflag:s7] =	ssyncadd.s32 $0xFFFF4000  }
0x79: {  	_ =	swait.ge [sflag:s5], $0xC000  }
0x7a: {  	s21 =	sshrl.u32 s15, $0x3;
	[sflag:s5] =	ssyncset.done $0x0  }
0x7b: {  	s16 =	sadd.s32 s2, s21;
	[sflag:s5] =	ssyncadd.s32 $0xFFFF4000  }
0x7c: {  	[tilespmem:s8], [sflag:$0x1] =	stream.linear.gather [hbm4b:s16+s3], $0xC000, $0x38;
	[tilespmem:$0x18080] =	vst v63  }
0x7d: {  	s22 =	rddreg [dreg:$0xd]  }
0x7e: {  	[hbm4b:s22+s3] =	stream.linear.scatter [tilespmem:s6], [sflag:$0x4], $0xC000, $0x38;
	[tilespmem:$0x18080] =	vst v63  }
0x7f: {  	_ =	swait.ge [sflag:s9], $0xC000  }
0x80: {  	[sflag:s9] =	ssyncset.done $0x0  }
0x81: {  	[sflag:s9] =	ssyncadd.s32 $0xFFFF4000  }
0x82: {  	s15 =	sadd.s32 $0xC000, s15;
	_ =	swait.ge [sflag:s4], $0xC000  }
0x83: {  	s15 =	sshrl.u32 s15, $0x3;
	[sflag:s4] =	ssyncset.done $0x0  }
0x84: {  	s15 =	sadd.s32 s2, s15;
	[sflag:s4] =	ssyncadd.s32 $0xFFFF4000  }
0x85: {  	[tilespmem:s6], [sflag:$0x2] =	stream.linear.gather [hbm4b:s15+s3], $0xC000, $0x38;
	[tilespmem:$0x18080] =	vst v63  }
0x86: {  	s23 =	rddreg [dreg:$0xe]  }
0x87: {  	[hbm4b:s23+s3] =	stream.linear.scatter [tilespmem:s8], [sflag:$0x3], $0xC000, $0x38;
	[tilespmem:$0x18080] =	vst v63  }
0x88: {  	_ =	swait.ge [sflag:s7], $0xC000  }
0x89: {  	[sflag:s7] =	ssyncset.done $0x0  }
0x8a: {  	[sflag:s7] =	ssyncadd.s32 $0xFFFF4000  }
0x8b: {  	_ =	swait.ge [sflag:s5], $0xC000  }
0x8c: {  	s24 =	sshrl.u32 s14, $0x3;
	[sflag:s5] =	ssyncset.done $0x0  }
0x8d: {  	s15 =	sadd.s32 s2, s24;
	[sflag:s5] =	ssyncadd.s32 $0xFFFF4000  }
0x8e: {  	[tilespmem:s8], [sflag:$0x1] =	stream.linear.gather [hbm4b:s15+s3], $0xC000, $0x38;
	[tilespmem:$0x18080] =	vst v63  }
0x8f: {  	s25 =	rddreg [dreg:$0xf]  }
0x90: {  	[hbm4b:s25+s3] =	stream.linear.scatter [tilespmem:s6], [sflag:$0x4], $0xC000, $0x38;
	[tilespmem:$0x18080] =	vst v63  }
0x91: {  	_ =	swait.ge [sflag:s9], $0xC000  }
0x92: {  	[sflag:s9] =	ssyncset.done $0x0  }
0x93: {  	[sflag:s9] =	ssyncadd.s32 $0xFFFF4000  }
0x94: {  	s14 =	sadd.s32 $0xC000, s14;
	_ =	swait.ge [sflag:s4], $0xC000  }
0x95: {  	s14 =	sshrl.u32 s14, $0x3;
	[sflag:s4] =	ssyncset.done $0x0  }
0x96: {  	s14 =	sadd.s32 s2, s14;
	[sflag:s4] =	ssyncadd.s32 $0xFFFF4000  }
0x97: {  	[tilespmem:s6], [sflag:$0x2] =	stream.linear.gather [hbm4b:s14+s3], $0xC000, $0x38;
	[tilespmem:$0x18080] =	vst v63  }
0x98: {  	s26 =	rddreg [dreg:$0x10]  }
0x99: {  	[hbm4b:s26+s3] =	stream.linear.scatter [tilespmem:s8], [sflag:$0x3], $0xC000, $0x38;
	[tilespmem:$0x18080] =	vst v63  }
0x9a: {  	_ =	swait.ge [sflag:s7], $0xC000  }
0x9b: {  	[sflag:s7] =	ssyncset.done $0x0  }
0x9c: {  	[sflag:s7] =	ssyncadd.s32 $0xFFFF4000  }
0x9d: {  	_ =	swait.ge [sflag:s5], $0xC000  }
0x9e: {  	s28 =	sshrl.u32 s13, $0x3;
	[sflag:s5] =	ssyncset.done $0x0  }
0x9f: {  	s14 =	sadd.s32 s2, s28;
	[sflag:s5] =	ssyncadd.s32 $0xFFFF4000  }
0xa0: {  	[tilespmem:s8], [sflag:$0x1] =	stream.linear.gather [hbm4b:s14+s3], $0xC000, $0x38;
	[tilespmem:$0x18080] =	vst v63  }
0xa1: {  	s29 =	rddreg [dreg:$0x11]  }
0xa2: {  	[hbm4b:s29+s3] =	stream.linear.scatter [tilespmem:s6], [sflag:$0x4], $0xC000, $0x38;
	[tilespmem:$0x18080] =	vst v63  }
0xa3: {  	_ =	swait.ge [sflag:s9], $0xC000  }
0xa4: {  	[sflag:s9] =	ssyncset.done $0x0  }
0xa5: {  	[sflag:s9] =	ssyncadd.s32 $0xFFFF4000  }
0xa6: {  	s13 =	sadd.s32 $0xC000, s13;
	_ =	swait.ge [sflag:s4], $0xC000  }
0xa7: {  	s13 =	sshrl.u32 s13, $0x3;
	[sflag:s4] =	ssyncset.done $0x0  }
0xa8: {  	s13 =	sadd.s32 s2, s13;
	[sflag:s4] =	ssyncadd.s32 $0xFFFF4000  }
0xa9: {  	[tilespmem:s6], [sflag:$0x2] =	stream.linear.gather [hbm4b:s13+s3], $0xC000, $0x38;
	[tilespmem:$0x18080] =	vst v63  }
0xaa: {  	s30 =	rddreg [dreg:$0x12]  }
0xab: {  	[hbm4b:s30+s3] =	stream.linear.scatter [tilespmem:s8], [sflag:$0x3], $0xC000, $0x38;
	[tilespmem:$0x18080] =	vst v63  }
0xac: {  	_ =	swait.ge [sflag:s7], $0xC000  }
0xad: {  	[sflag:s7] =	ssyncset.done $0x0  }
0xae: {  	p1 =	sne.s32 s12, $0x1;
	s31 =	rddreg [dreg:$0x13];
	[sflag:s7] =	ssyncadd.s32 $0xFFFF4000  }
0xaf: {  	[hbm4b:s31+s3] =	stream.linear.scatter [tilespmem:s6], [sflag:$0x4], $0xC000, $0x38;
	[tilespmem:$0x18080] =	vst v63  }
.Ltmp1:
0xb0: {  	_ =	swait.ge [sflag:s5], $0xC000;
	(pc) =	sbr.rel @!p1 .LBB2_3-.Ltmp1, $4  }
0xb1: {  	[sflag:s5] =	ssyncset.done $0x0  }
0xb2: {  	[sflag:s5] =	ssyncadd.s32 $0xFFFF4000  }
0xb3: {  	s12 =	sadd.s32 $0xFFFFFFFF, s12;
	_ =	swait.ge [sflag:s4], $0xC000  }
0xb4: {  	p0 =	por $0x1, $0x1;
	s13 =	rddreg [dreg:$0x4];
	[sflag:s4] =	ssyncset.done $0x0  }
.LBB2_2:
0xb5: {  	[sflag:s4] =	ssyncadd.s32 $0xFFFF4000  }
0xb6: {  	[tilespmem:s3], [sflag:$0x5] =	stream.linear.gather [hbm4b:s13+s3], $0x8, $0x38;
	[tilespmem:$0x18080] =	vst v63  }
0xb7: {  	_ =	swait.ge [sflag:s11], $0x8  }
0xb8: {  	[sflag:s11] =	ssyncset.done $0x0  }
0xb9: {  	[sflag:s11] =	ssyncadd.s32 $0xFFFFFFF8  }
0xba: {  	v0 =	vld [tilespmem:$0x0];
	_ =	sdelay $0x4  }
0xbb: {  	v0 =	vmul.u32 $0x18000, v0;
	_ =	sdelay $0x1  }
0xbc: {  	(v2sf) =	vpush v0, $0x0;
	_ =	sdelay $0x1  }
0xbd: {  	(v2sf) =	vpush v0, $0x1;
	_ =	sdelay $0x3  }
0xbe: {  	(v2sf) =	vpush v0, $0x2;
	_ =	sdelay $0x1  }
0xbf: {  	(v2sf) =	vpush v0, $0x3;
	_ =	sdelay $0x3  }
0xc0: {  	(v2sf) =	vpush v0, $0x4;
	_ =	sdelay $0x2  }
0xc1: {  	(v2sf) =	vpush v0, $0x5;
	s20 =	spop (v2sf)  }
0xc2: {  	s14 =	sshrl.u32 s20, $0x3  }
0xc3: {  	s15 =	spop (v2sf);
	(v2sf) =	vpush v0, $0x6;
	s14 =	sadd.s32 s2, s14  }
0xc4: {  	[tilespmem:s8], [sflag:$0x1] =	stream.linear.gather [hbm4b:s14+s3], $0xC000, $0x38;
	[tilespmem:$0x18080] =	vst v63  }
0xc5: {  	s13 =	sadd.s32 $0xC000, s20;
	_ =	swait.ge [sflag:s9], $0xC000  }
0xc6: {  	s13 =	sshrl.u32 s13, $0x3;
	[sflag:s9] =	ssyncset.done $0x0  }
0xc7: {  	s13 =	sadd.s32 s2, s13;
	s22 =	spop (v2sf);
	(v2sf) =	vpush v0, $0x7;
	[sflag:s9] =	ssyncadd.s32 $0xFFFF4000  }
0xc8: {  	[tilespmem:s6], [sflag:$0x2] =	stream.linear.gather [hbm4b:s13+s3], $0xC000, $0x38;
	[tilespmem:$0x18080] =	vst v63  }
0xc9: {  	s26 =	spop (v2sf)  }
0xca: {  	[hbm4b:s10+s3] =	stream.linear.scatter [tilespmem:s8], [sflag:$0x3], $0xC000, $0x38;
	[tilespmem:$0x18080] =	vst v63  }
0xcb: {  	_ =	swait.ge [sflag:s7], $0xC000  }
0xcc: {  	[sflag:s7] =	ssyncset.done $0x0  }
0xcd: {  	s28 =	spop (v2sf);
	[sflag:s7] =	ssyncadd.s32 $0xFFFF4000  }
0xce: {  	s16 =	sshrl.u32 s15, $0x3;
	s21 =	sadd.s32 $0xC000, s15;
	_ =	swait.ge [sflag:s5], $0xC000  }
0xcf: {  	s25 =	sshrl.u32 s21, $0x3;
	s30 =	sadd.s32 s2, s16;
	[sflag:s5] =	ssyncset.done $0x0  }
0xd0: {  	s25 =	sadd.s32 s2, s25;
	s29 =	spop (v2sf);
	[sflag:s5] =	ssyncadd.s32 $0xFFFF4000  }
0xd1: {  	[tilespmem:s8], [sflag:$0x1] =	stream.linear.gather [hbm4b:s30+s3], $0xC000, $0x38;
	[tilespmem:$0x18080] =	vst v63  }
0xd2: {  	s24 =	sshrl.u32 s22, $0x3;
	s31 =	rddreg [dreg:$0x5];
	s14 =	spop (v2sf)  }
0xd3: {  	[hbm4b:s31+s3] =	stream.linear.scatter [tilespmem:s6], [sflag:$0x4], $0xC000, $0x38;
	[tilespmem:$0x18080] =	vst v63  }
0xd4: {  	s23 =	sadd.s32 $0xC000, s22;
	s13 =	sadd.s32 $0xC000, s26;
	_ =	swait.ge [sflag:s9], $0xC000  }
0xd5: {  	s22 =	sshrl.u32 s26, $0x3;
	s21 =	sshrl.u32 s13, $0x3;
	[sflag:s9] =	ssyncset.done $0x0  }
0xd6: {  	s13 =	sadd.s32 $0xC000, s28;
	s26 =	spop (v2sf);
	[sflag:s9] =	ssyncadd.s32 $0xFFFF4000  }
0xd7: {  	s19 =	sshrl.u32 s13, $0x3;
	s13 =	sadd.s32 $0xC000, s29;
	_ =	swait.ge [sflag:s4], $0xC000  }
0xd8: {  	s17 =	sshrl.u32 s13, $0x3;
	s13 =	sadd.s32 $0xC000, s14;
	[sflag:s4] =	ssyncset.done $0x0  }
0xd9: {  	s16 =	sshrl.u32 s14, $0x3;
	s15 =	sshrl.u32 s13, $0x3;
	[sflag:s4] =	ssyncadd.s32 $0xFFFF4000  }
0xda: {  	[tilespmem:s6], [sflag:$0x2] =	stream.linear.gather [hbm4b:s25+s3], $0xC000, $0x38;
	[tilespmem:$0x18080] =	vst v63  }
0xdb: {  	s14 =	sshrl.u32 s26, $0x3;
	s13 =	sadd.s32 $0xC000, s26;
	s26 =	rddreg [dreg:$0x6]  }
0xdc: {  	[hbm4b:s26+s3] =	stream.linear.scatter [tilespmem:s8], [sflag:$0x3], $0xC000, $0x38;
	[tilespmem:$0x18080] =	vst v63  }
0xdd: {  	_ =	swait.ge [sflag:s7], $0xC000  }
0xde: {  	[sflag:s7] =	ssyncset.done $0x0  }
0xdf: {  	[sflag:s7] =	ssyncadd.s32 $0xFFFF4000  }
0xe0: {  	_ =	swait.ge [sflag:s5], $0xC000  }
0xe1: {  	[sflag:s5] =	ssyncset.done $0x0  }
0xe2: {  	s24 =	sadd.s32 s2, s24;
	[sflag:s5] =	ssyncadd.s32 $0xFFFF4000  }
0xe3: {  	[tilespmem:s8], [sflag:$0x1] =	stream.linear.gather [hbm4b:s24+s3], $0xC000, $0x38;
	[tilespmem:$0x18080] =	vst v63  }
0xe4: {  	s20 =	sshrl.u32 s28, $0x3;
	s28 =	rddreg [dreg:$0x7]  }
0xe5: {  	[hbm4b:s28+s3] =	stream.linear.scatter [tilespmem:s6], [sflag:$0x4], $0xC000, $0x38;
	[tilespmem:$0x18080] =	vst v63  }
0xe6: {  	_ =	swait.ge [sflag:s9], $0xC000  }
0xe7: {  	[sflag:s9] =	ssyncset.done $0x0  }
0xe8: {  	[sflag:s9] =	ssyncadd.s32 $0xFFFF4000  }
0xe9: {  	_ =	swait.ge [sflag:s4], $0xC000  }
0xea: {  	s23 =	sshrl.u32 s23, $0x3;
	[sflag:s4] =	ssyncset.done $0x0  }
0xeb: {  	s23 =	sadd.s32 s2, s23;
	[sflag:s4] =	ssyncadd.s32 $0xFFFF4000  }
0xec: {  	[tilespmem:s6], [sflag:$0x2] =	stream.linear.gather [hbm4b:s23+s3], $0xC000, $0x38;
	[tilespmem:$0x18080] =	vst v63  }
0xed: {  	s18 =	sshrl.u32 s29, $0x3;
	s29 =	rddreg [dreg:$0x8]  }
0xee: {  	[hbm4b:s29+s3] =	stream.linear.scatter [tilespmem:s8], [sflag:$0x3], $0xC000, $0x38;
	[tilespmem:$0x18080] =	vst v63  }
0xef: {  	_ =	swait.ge [sflag:s7], $0xC000  }
0xf0: {  	[sflag:s7] =	ssyncset.done $0x0  }
0xf1: {  	[sflag:s7] =	ssyncadd.s32 $0xFFFF4000  }
0xf2: {  	_ =	swait.ge [sflag:s5], $0xC000  }
0xf3: {  	[sflag:s5] =	ssyncset.done $0x0  }
0xf4: {  	s22 =	sadd.s32 s2, s22;
	[sflag:s5] =	ssyncadd.s32 $0xFFFF4000  }
0xf5: {  	[tilespmem:s8], [sflag:$0x1] =	stream.linear.gather [hbm4b:s22+s3], $0xC000, $0x38;
	[tilespmem:$0x18080] =	vst v63  }
0xf6: {  	s30 =	rddreg [dreg:$0x9]  }
0xf7: {  	[hbm4b:s30+s3] =	stream.linear.scatter [tilespmem:s6], [sflag:$0x4], $0xC000, $0x38;
	[tilespmem:$0x18080] =	vst v63  }
0xf8: {  	_ =	swait.ge [sflag:s9], $0xC000  }
0xf9: {  	[sflag:s9] =	ssyncset.done $0x0  }
0xfa: {  	[sflag:s9] =	ssyncadd.s32 $0xFFFF4000  }
0xfb: {  	_ =	swait.ge [sflag:s4], $0xC000  }
0xfc: {  	[sflag:s4] =	ssyncset.done $0x0  }
0xfd: {  	s21 =	sadd.s32 s2, s21;
	[sflag:s4] =	ssyncadd.s32 $0xFFFF4000  }
0xfe: {  	[tilespmem:s6], [sflag:$0x2] =	stream.linear.gather [hbm4b:s21+s3], $0xC000, $0x38;
	[tilespmem:$0x18080] =	vst v63  }
0xff: {  	s31 =	rddreg [dreg:$0xa]  }
0x100: {  	[hbm4b:s31+s3] =	stream.linear.scatter [tilespmem:s8], [sflag:$0x3], $0xC000, $0x38;
	[tilespmem:$0x18080] =	vst v63  }
0x101: {  	_ =	swait.ge [sflag:s7], $0xC000  }
0x102: {  	[sflag:s7] =	ssyncset.done $0x0  }
0x103: {  	[sflag:s7] =	ssyncadd.s32 $0xFFFF4000  }
0x104: {  	_ =	swait.ge [sflag:s5], $0xC000  }
0x105: {  	[sflag:s5] =	ssyncset.done $0x0  }
0x106: {  	s20 =	sadd.s32 s2, s20;
	[sflag:s5] =	ssyncadd.s32 $0xFFFF4000  }
0x107: {  	[tilespmem:s8], [sflag:$0x1] =	stream.linear.gather [hbm4b:s20+s3], $0xC000, $0x38;
	[tilespmem:$0x18080] =	vst v63  }
0x108: {  	s22 =	rddreg [dreg:$0xb]  }
0x109: {  	[hbm4b:s22+s3] =	stream.linear.scatter [tilespmem:s6], [sflag:$0x4], $0xC000, $0x38;
	[tilespmem:$0x18080] =	vst v63  }
0x10a: {  	_ =	swait.ge [sflag:s9], $0xC000  }
0x10b: {  	[sflag:s9] =	ssyncset.done $0x0  }
0x10c: {  	[sflag:s9] =	ssyncadd.s32 $0xFFFF4000  }
0x10d: {  	_ =	swait.ge [sflag:s4], $0xC000  }
0x10e: {  	[sflag:s4] =	ssyncset.done $0x0  }
0x10f: {  	s19 =	sadd.s32 s2, s19;
	[sflag:s4] =	ssyncadd.s32 $0xFFFF4000  }
0x110: {  	[tilespmem:s6], [sflag:$0x2] =	stream.linear.gather [hbm4b:s19+s3], $0xC000, $0x38;
	[tilespmem:$0x18080] =	vst v63  }
0x111: {  	s23 =	rddreg [dreg:$0xc]  }
0x112: {  	[hbm4b:s23+s3] =	stream.linear.scatter [tilespmem:s8], [sflag:$0x3], $0xC000, $0x38;
	[tilespmem:$0x18080] =	vst v63  }
0x113: {  	_ =	swait.ge [sflag:s7], $0xC000  }
0x114: {  	[sflag:s7] =	ssyncset.done $0x0  }
0x115: {  	[sflag:s7] =	ssyncadd.s32 $0xFFFF4000  }
0x116: {  	_ =	swait.ge [sflag:s5], $0xC000  }
0x117: {  	[sflag:s5] =	ssyncset.done $0x0  }
0x118: {  	s18 =	sadd.s32 s2, s18;
	[sflag:s5] =	ssyncadd.s32 $0xFFFF4000  }
0x119: {  	[tilespmem:s8], [sflag:$0x1] =	stream.linear.gather [hbm4b:s18+s3], $0xC000, $0x38;
	[tilespmem:$0x18080] =	vst v63  }
0x11a: {  	s24 =	rddreg [dreg:$0xd]  }
0x11b: {  	[hbm4b:s24+s3] =	stream.linear.scatter [tilespmem:s6], [sflag:$0x4], $0xC000, $0x38;
	[tilespmem:$0x18080] =	vst v63  }
0x11c: {  	_ =	swait.ge [sflag:s9], $0xC000  }
0x11d: {  	[sflag:s9] =	ssyncset.done $0x0  }
0x11e: {  	[sflag:s9] =	ssyncadd.s32 $0xFFFF4000  }
0x11f: {  	_ =	swait.ge [sflag:s4], $0xC000  }
0x120: {  	[sflag:s4] =	ssyncset.done $0x0  }
0x121: {  	s17 =	sadd.s32 s2, s17;
	[sflag:s4] =	ssyncadd.s32 $0xFFFF4000  }
0x122: {  	[tilespmem:s6], [sflag:$0x2] =	stream.linear.gather [hbm4b:s17+s3], $0xC000, $0x38;
	[tilespmem:$0x18080] =	vst v63  }
0x123: {  	s25 =	rddreg [dreg:$0xe]  }
0x124: {  	[hbm4b:s25+s3] =	stream.linear.scatter [tilespmem:s8], [sflag:$0x3], $0xC000, $0x38;
	[tilespmem:$0x18080] =	vst v63  }
0x125: {  	_ =	swait.ge [sflag:s7], $0xC000  }
0x126: {  	[sflag:s7] =	ssyncset.done $0x0  }
0x127: {  	[sflag:s7] =	ssyncadd.s32 $0xFFFF4000  }
0x128: {  	_ =	swait.ge [sflag:s5], $0xC000  }
0x129: {  	[sflag:s5] =	ssyncset.done $0x0  }
0x12a: {  	s16 =	sadd.s32 s2, s16;
	[sflag:s5] =	ssyncadd.s32 $0xFFFF4000  }
0x12b: {  	[tilespmem:s8], [sflag:$0x1] =	stream.linear.gather [hbm4b:s16+s3], $0xC000, $0x38;
	[tilespmem:$0x18080] =	vst v63  }
0x12c: {  	s26 =	rddreg [dreg:$0xf]  }
0x12d: {  	[hbm4b:s26+s3] =	stream.linear.scatter [tilespmem:s6], [sflag:$0x4], $0xC000, $0x38;
	[tilespmem:$0x18080] =	vst v63  }
0x12e: {  	_ =	swait.ge [sflag:s9], $0xC000  }
0x12f: {  	[sflag:s9] =	ssyncset.done $0x0  }
0x130: {  	[sflag:s9] =	ssyncadd.s32 $0xFFFF4000  }
0x131: {  	_ =	swait.ge [sflag:s4], $0xC000  }
0x132: {  	[sflag:s4] =	ssyncset.done $0x0  }
0x133: {  	s15 =	sadd.s32 s2, s15;
	[sflag:s4] =	ssyncadd.s32 $0xFFFF4000  }
0x134: {  	[tilespmem:s6], [sflag:$0x2] =	stream.linear.gather [hbm4b:s15+s3], $0xC000, $0x38;
	[tilespmem:$0x18080] =	vst v63  }
0x135: {  	s28 =	rddreg [dreg:$0x10]  }
0x136: {  	[hbm4b:s28+s3] =	stream.linear.scatter [tilespmem:s8], [sflag:$0x3], $0xC000, $0x38;
	[tilespmem:$0x18080] =	vst v63  }
0x137: {  	_ =	swait.ge [sflag:s7], $0xC000  }
0x138: {  	[sflag:s7] =	ssyncset.done $0x0  }
0x139: {  	[sflag:s7] =	ssyncadd.s32 $0xFFFF4000  }
0x13a: {  	_ =	swait.ge [sflag:s5], $0xC000  }
0x13b: {  	[sflag:s5] =	ssyncset.done $0x0  }
0x13c: {  	s14 =	sadd.s32 s2, s14;
	[sflag:s5] =	ssyncadd.s32 $0xFFFF4000  }
0x13d: {  	[tilespmem:s8], [sflag:$0x1] =	stream.linear.gather [hbm4b:s14+s3], $0xC000, $0x38;
	[tilespmem:$0x18080] =	vst v63  }
0x13e: {  	s29 =	rddreg [dreg:$0x11]  }
0x13f: {  	[hbm4b:s29+s3] =	stream.linear.scatter [tilespmem:s6], [sflag:$0x4], $0xC000, $0x38;
	[tilespmem:$0x18080] =	vst v63  }
0x140: {  	_ =	swait.ge [sflag:s9], $0xC000  }
0x141: {  	[sflag:s9] =	ssyncset.done $0x0  }
0x142: {  	[sflag:s9] =	ssyncadd.s32 $0xFFFF4000  }
0x143: {  	_ =	swait.ge [sflag:s4], $0xC000  }
0x144: {  	s13 =	sshrl.u32 s13, $0x3;
	[sflag:s4] =	ssyncset.done $0x0  }
0x145: {  	s13 =	sadd.s32 s2, s13;
	[sflag:s4] =	ssyncadd.s32 $0xFFFF4000  }
0x146: {  	[tilespmem:s6], [sflag:$0x2] =	stream.linear.gather [hbm4b:s13+s3], $0xC000, $0x38;
	[tilespmem:$0x18080] =	vst v63  }
0x147: {  	s30 =	rddreg [dreg:$0x12]  }
0x148: {  	[hbm4b:s30+s3] =	stream.linear.scatter [tilespmem:s8], [sflag:$0x3], $0xC000, $0x38;
	[tilespmem:$0x18080] =	vst v63  }
0x149: {  	_ =	swait.ge [sflag:s7], $0xC000  }
0x14a: {  	[sflag:s7] =	ssyncset.done $0x0  }
0x14b: {  	p1 =	sne.s32 s12, $0x1;
	s31 =	rddreg [dreg:$0x13];
	[sflag:s7] =	ssyncadd.s32 $0xFFFF4000  }
0x14c: {  	[hbm4b:s31+s3] =	stream.linear.scatter [tilespmem:s6], [sflag:$0x4], $0xC000, $0x38;
	[tilespmem:$0x18080] =	vst v63  }
.Ltmp2:
0x14d: {  	_ =	swait.ge [sflag:s5], $0xC000;
	(pc) =	sbr.rel @p1 .LBB2_2-.Ltmp2, $4  }
0x14e: {  	[sflag:s5] =	ssyncset.done $0x0  }
0x14f: {  	[sflag:s5] =	ssyncadd.s32 $0xFFFF4000  }
0x150: {  	_ =	swait.ge [sflag:s4], $0xC000  }
0x151: {  	s12 =	sadd.s32 $0xFFFFFFFF, s12;
	s13 =	rddreg [dreg:$0x4];
	[sflag:s4] =	ssyncset.done $0x0  }
.LBB2_3:
0x152: {  	[sflag:s4] =	ssyncadd.s32 @p0 $0xFFFF4000  }
0x153: {  	[tilespmem:s3], [sflag:$0x5] =	stream.linear.gather [hbm4b:s13+s3], $0x8, $0x38;
	[tilespmem:$0x18080] =	vst v63  }
0x154: {  	_ =	swait.ge [sflag:s11], $0x8  }
0x155: {  	[sflag:s11] =	ssyncset.done $0x0  }
0x156: {  	[sflag:s11] =	ssyncadd.s32 $0xFFFFFFF8  }
0x157: {  	v0 =	vld [tilespmem:$0x0];
	_ =	sdelay $0x4  }
0x158: {  	v0 =	vmul.u32 $0x18000, v0;
	_ =	sdelay $0x1  }
0x159: {  	(v2sf) =	vpush v0, $0x0;
	_ =	sdelay $0x1  }
0x15a: {  	(v2sf) =	vpush v0, $0x1;
	_ =	sdelay $0x3  }
0x15b: {  	(v2sf) =	vpush v0, $0x2;
	_ =	sdelay $0x1  }
0x15c: {  	(v2sf) =	vpush v0, $0x3;
	_ =	sdelay $0x3  }
0x15d: {  	(v2sf) =	vpush v0, $0x4;
	_ =	sdelay $0x2  }
0x15e: {  	(v2sf) =	vpush v0, $0x5;
	s19 =	spop (v2sf)  }
0x15f: {  	s12 =	sshrl.u32 s19, $0x3  }
0x160: {  	(v2sf) =	vpush v0, $0x6;
	s15 =	spop (v2sf);
	s12 =	sadd.s32 s2, s12  }
0x161: {  	[tilespmem:s8], [sflag:$0x1] =	stream.linear.gather [hbm4b:s12+s3], $0xC000, $0x38;
	[tilespmem:$0x18080] =	vst v63  }
0x162: {  	s11 =	sadd.s32 $0xC000, s19;
	_ =	swait.ge [sflag:s9], $0xC000  }
0x163: {  	s11 =	sshrl.u32 s11, $0x3;
	[sflag:s9] =	ssyncset.done $0x0  }
0x164: {  	s11 =	sadd.s32 s2, s11;
	s16 =	spop (v2sf);
	(v2sf) =	vpush v0, $0x7;
	[sflag:s9] =	ssyncadd.s32 $0xFFFF4000  }
0x165: {  	[tilespmem:s6], [sflag:$0x2] =	stream.linear.gather [hbm4b:s11+s3], $0xC000, $0x38;
	[tilespmem:$0x18080] =	vst v63  }
0x166: {  	s14 =	spop (v2sf)  }
0x167: {  	[hbm4b:s10+s3] =	stream.linear.scatter [tilespmem:s8], [sflag:$0x3], $0xC000, $0x38;
	[tilespmem:$0x18080] =	vst v63  }
0x168: {  	_ =	swait.ge [sflag:s7], $0xC000  }
0x169: {  	[sflag:s7] =	ssyncset.done $0x0  }
0x16a: {  	s20 =	spop (v2sf);
	[sflag:s7] =	ssyncadd.s32 $0xFFFF4000  }
0x16b: {  	_ =	swait.ge [sflag:s5], $0xC000  }
0x16c: {  	s21 =	sshrl.u32 s15, $0x3;
	[sflag:s5] =	ssyncset.done $0x0  }
0x16d: {  	s10 =	sadd.s32 s2, s21;
	s22 =	spop (v2sf);
	[sflag:s5] =	ssyncadd.s32 $0xFFFF4000  }
0x16e: {  	[tilespmem:s8], [sflag:$0x1] =	stream.linear.gather [hbm4b:s10+s3], $0xC000, $0x38;
	[tilespmem:$0x18080] =	vst v63  }
0x16f: {  	s17 =	rddreg [dreg:$0x5];
	s11 =	spop (v2sf)  }
0x170: {  	[hbm4b:s17+s3] =	stream.linear.scatter [tilespmem:s6], [sflag:$0x4], $0xC000, $0x38;
	[tilespmem:$0x18080] =	vst v63  }
0x171: {  	_ =	swait.ge [sflag:s9], $0xC000  }
0x172: {  	[sflag:s9] =	ssyncset.done $0x0  }
0x173: {  	s10 =	spop (v2sf);
	[sflag:s9] =	ssyncadd.s32 $0xFFFF4000  }
0x174: {  	s15 =	sadd.s32 $0xC000, s15;
	_ =	swait.ge [sflag:s4], $0xC000  }
0x175: {  	s15 =	sshrl.u32 s15, $0x3;
	[sflag:s4] =	ssyncset.done $0x0  }
0x176: {  	s15 =	sadd.s32 s2, s15;
	[sflag:s4] =	ssyncadd.s32 $0xFFFF4000  }
0x177: {  	[tilespmem:s6], [sflag:$0x2] =	stream.linear.gather [hbm4b:s15+s3], $0xC000, $0x38;
	[tilespmem:$0x18080] =	vst v63  }
0x178: {  	s23 =	rddreg [dreg:$0x6]  }
0x179: {  	[hbm4b:s23+s3] =	stream.linear.scatter [tilespmem:s8], [sflag:$0x3], $0xC000, $0x38;
	[tilespmem:$0x18080] =	vst v63  }
0x17a: {  	_ =	swait.ge [sflag:s7], $0xC000  }
0x17b: {  	[sflag:s7] =	ssyncset.done $0x0  }
0x17c: {  	[sflag:s7] =	ssyncadd.s32 $0xFFFF4000  }
0x17d: {  	_ =	swait.ge [sflag:s5], $0xC000  }
0x17e: {  	s24 =	sshrl.u32 s16, $0x3;
	[sflag:s5] =	ssyncset.done $0x0  }
0x17f: {  	s15 =	sadd.s32 s2, s24;
	[sflag:s5] =	ssyncadd.s32 $0xFFFF4000  }
0x180: {  	[tilespmem:s8], [sflag:$0x1] =	stream.linear.gather [hbm4b:s15+s3], $0xC000, $0x38;
	[tilespmem:$0x18080] =	vst v63  }
0x181: {  	s25 =	rddreg [dreg:$0x7]  }
0x182: {  	[hbm4b:s25+s3] =	stream.linear.scatter [tilespmem:s6], [sflag:$0x4], $0xC000, $0x38;
	[tilespmem:$0x18080] =	vst v63  }
0x183: {  	_ =	swait.ge [sflag:s9], $0xC000  }
0x184: {  	[sflag:s9] =	ssyncset.done $0x0  }
0x185: {  	[sflag:s9] =	ssyncadd.s32 $0xFFFF4000  }
0x186: {  	s26 =	sadd.s32 $0xC000, s16;
	_ =	swait.ge [sflag:s4], $0xC000  }
0x187: {  	s15 =	sshrl.u32 s26, $0x3;
	[sflag:s4] =	ssyncset.done $0x0  }
0x188: {  	s15 =	sadd.s32 s2, s15;
	[sflag:s4] =	ssyncadd.s32 $0xFFFF4000  }
0x189: {  	[tilespmem:s6], [sflag:$0x2] =	stream.linear.gather [hbm4b:s15+s3], $0xC000, $0x38;
	[tilespmem:$0x18080] =	vst v63  }
0x18a: {  	s28 =	rddreg [dreg:$0x8]  }
0x18b: {  	[hbm4b:s28+s3] =	stream.linear.scatter [tilespmem:s8], [sflag:$0x3], $0xC000, $0x38;
	[tilespmem:$0x18080] =	vst v63  }
0x18c: {  	_ =	swait.ge [sflag:s7], $0xC000  }
0x18d: {  	[sflag:s7] =	ssyncset.done $0x0  }
0x18e: {  	[sflag:s7] =	ssyncadd.s32 $0xFFFF4000  }
0x18f: {  	_ =	swait.ge [sflag:s5], $0xC000  }
0x190: {  	s29 =	sshrl.u32 s14, $0x3;
	[sflag:s5] =	ssyncset.done $0x0  }
0x191: {  	s15 =	sadd.s32 s2, s29;
	[sflag:s5] =	ssyncadd.s32 $0xFFFF4000  }
0x192: {  	[tilespmem:s8], [sflag:$0x1] =	stream.linear.gather [hbm4b:s15+s3], $0xC000, $0x38;
	[tilespmem:$0x18080] =	vst v63  }
0x193: {  	s30 =	rddreg [dreg:$0x9]  }
0x194: {  	[hbm4b:s30+s3] =	stream.linear.scatter [tilespmem:s6], [sflag:$0x4], $0xC000, $0x38;
	[tilespmem:$0x18080] =	vst v63  }
0x195: {  	_ =	swait.ge [sflag:s9], $0xC000  }
0x196: {  	[sflag:s9] =	ssyncset.done $0x0  }
0x197: {  	[sflag:s9] =	ssyncadd.s32 $0xFFFF4000  }
0x198: {  	s14 =	sadd.s32 $0xC000, s14;
	_ =	swait.ge [sflag:s4], $0xC000  }
0x199: {  	s14 =	sshrl.u32 s14, $0x3;
	[sflag:s4] =	ssyncset.done $0x0  }
0x19a: {  	s14 =	sadd.s32 s2, s14;
	[sflag:s4] =	ssyncadd.s32 $0xFFFF4000  }
0x19b: {  	[tilespmem:s6], [sflag:$0x2] =	stream.linear.gather [hbm4b:s14+s3], $0xC000, $0x38;
	[tilespmem:$0x18080] =	vst v63  }
0x19c: {  	s31 =	rddreg [dreg:$0xa]  }
0x19d: {  	[hbm4b:s31+s3] =	stream.linear.scatter [tilespmem:s8], [sflag:$0x3], $0xC000, $0x38;
	[tilespmem:$0x18080] =	vst v63  }
0x19e: {  	_ =	swait.ge [sflag:s7], $0xC000  }
0x19f: {  	[sflag:s7] =	ssyncset.done $0x0  }
0x1a0: {  	[sflag:s7] =	ssyncadd.s32 $0xFFFF4000  }
0x1a1: {  	_ =	swait.ge [sflag:s5], $0xC000  }
0x1a2: {  	s16 =	sshrl.u32 s20, $0x3;
	[sflag:s5] =	ssyncset.done $0x0  }
0x1a3: {  	s14 =	sadd.s32 s2, s16;
	[sflag:s5] =	ssyncadd.s32 $0xFFFF4000  }
0x1a4: {  	[tilespmem:s8], [sflag:$0x1] =	stream.linear.gather [hbm4b:s14+s3], $0xC000, $0x38;
	[tilespmem:$0x18080] =	vst v63  }
0x1a5: {  	s17 =	rddreg [dreg:$0xb]  }
0x1a6: {  	[hbm4b:s17+s3] =	stream.linear.scatter [tilespmem:s6], [sflag:$0x4], $0xC000, $0x38;
	[tilespmem:$0x18080] =	vst v63  }
0x1a7: {  	_ =	swait.ge [sflag:s9], $0xC000  }
0x1a8: {  	[sflag:s9] =	ssyncset.done $0x0  }
0x1a9: {  	[sflag:s9] =	ssyncadd.s32 $0xFFFF4000  }
0x1aa: {  	s13 =	sadd.s32 $0xC000, s20;
	_ =	swait.ge [sflag:s4], $0xC000  }
0x1ab: {  	s13 =	sshrl.u32 s13, $0x3;
	[sflag:s4] =	ssyncset.done $0x0  }
0x1ac: {  	s13 =	sadd.s32 s2, s13;
	[sflag:s4] =	ssyncadd.s32 $0xFFFF4000  }
0x1ad: {  	[tilespmem:s6], [sflag:$0x2] =	stream.linear.gather [hbm4b:s13+s3], $0xC000, $0x38;
	[tilespmem:$0x18080] =	vst v63  }
0x1ae: {  	s18 =	rddreg [dreg:$0xc]  }
0x1af: {  	[hbm4b:s18+s3] =	stream.linear.scatter [tilespmem:s8], [sflag:$0x3], $0xC000, $0x38;
	[tilespmem:$0x18080] =	vst v63  }
0x1b0: {  	_ =	swait.ge [sflag:s7], $0xC000  }
0x1b1: {  	[sflag:s7] =	ssyncset.done $0x0  }
0x1b2: {  	[sflag:s7] =	ssyncadd.s32 $0xFFFF4000  }
0x1b3: {  	_ =	swait.ge [sflag:s5], $0xC000  }
0x1b4: {  	s19 =	sshrl.u32 s22, $0x3;
	[sflag:s5] =	ssyncset.done $0x0  }
0x1b5: {  	s13 =	sadd.s32 s2, s19;
	[sflag:s5] =	ssyncadd.s32 $0xFFFF4000  }
0x1b6: {  	[tilespmem:s8], [sflag:$0x1] =	stream.linear.gather [hbm4b:s13+s3], $0xC000, $0x38;
	[tilespmem:$0x18080] =	vst v63  }
0x1b7: {  	s20 =	rddreg [dreg:$0xd]  }
0x1b8: {  	[hbm4b:s20+s3] =	stream.linear.scatter [tilespmem:s6], [sflag:$0x4], $0xC000, $0x38;
	[tilespmem:$0x18080] =	vst v63  }
0x1b9: {  	_ =	swait.ge [sflag:s9], $0xC000  }
0x1ba: {  	[sflag:s9] =	ssyncset.done $0x0  }
0x1bb: {  	[sflag:s9] =	ssyncadd.s32 $0xFFFF4000  }
0x1bc: {  	s12 =	sadd.s32 $0xC000, s22;
	_ =	swait.ge [sflag:s4], $0xC000  }
0x1bd: {  	s12 =	sshrl.u32 s12, $0x3;
	[sflag:s4] =	ssyncset.done $0x0  }
0x1be: {  	s12 =	sadd.s32 s2, s12;
	[sflag:s4] =	ssyncadd.s32 $0xFFFF4000  }
0x1bf: {  	[tilespmem:s6], [sflag:$0x2] =	stream.linear.gather [hbm4b:s12+s3], $0xC000, $0x38;
	[tilespmem:$0x18080] =	vst v63  }
0x1c0: {  	s21 =	rddreg [dreg:$0xe]  }
0x1c1: {  	[hbm4b:s21+s3] =	stream.linear.scatter [tilespmem:s8], [sflag:$0x3], $0xC000, $0x38;
	[tilespmem:$0x18080] =	vst v63  }
0x1c2: {  	_ =	swait.ge [sflag:s7], $0xC000  }
0x1c3: {  	[sflag:s7] =	ssyncset.done $0x0  }
0x1c4: {  	[sflag:s7] =	ssyncadd.s32 $0xFFFF4000  }
0x1c5: {  	_ =	swait.ge [sflag:s5], $0xC000  }
0x1c6: {  	s22 =	sshrl.u32 s11, $0x3;
	[sflag:s5] =	ssyncset.done $0x0  }
0x1c7: {  	s12 =	sadd.s32 s2, s22;
	[sflag:s5] =	ssyncadd.s32 $0xFFFF4000  }
0x1c8: {  	[tilespmem:s8], [sflag:$0x1] =	stream.linear.gather [hbm4b:s12+s3], $0xC000, $0x38;
	[tilespmem:$0x18080] =	vst v63  }
0x1c9: {  	s23 =	rddreg [dreg:$0xf]  }
0x1ca: {  	[hbm4b:s23+s3] =	stream.linear.scatter [tilespmem:s6], [sflag:$0x4], $0xC000, $0x38;
	[tilespmem:$0x18080] =	vst v63  }
0x1cb: {  	_ =	swait.ge [sflag:s9], $0xC000  }
0x1cc: {  	[sflag:s9] =	ssyncset.done $0x0  }
0x1cd: {  	[sflag:s9] =	ssyncadd.s32 $0xFFFF4000  }
0x1ce: {  	s11 =	sadd.s32 $0xC000, s11;
	_ =	swait.ge [sflag:s4], $0xC000  }
0x1cf: {  	s11 =	sshrl.u32 s11, $0x3;
	[sflag:s4] =	ssyncset.done $0x0  }
0x1d0: {  	s11 =	sadd.s32 s2, s11;
	[sflag:s4] =	ssyncadd.s32 $0xFFFF4000  }
0x1d1: {  	[tilespmem:s6], [sflag:$0x2] =	stream.linear.gather [hbm4b:s11+s3], $0xC000, $0x38;
	[tilespmem:$0x18080] =	vst v63  }
0x1d2: {  	s24 =	rddreg [dreg:$0x10]  }
0x1d3: {  	[hbm4b:s24+s3] =	stream.linear.scatter [tilespmem:s8], [sflag:$0x3], $0xC000, $0x38;
	[tilespmem:$0x18080] =	vst v63  }
0x1d4: {  	_ =	swait.ge [sflag:s7], $0xC000  }
0x1d5: {  	[sflag:s7] =	ssyncset.done $0x0  }
0x1d6: {  	[sflag:s7] =	ssyncadd.s32 $0xFFFF4000  }
0x1d7: {  	_ =	swait.ge [sflag:s5], $0xC000  }
0x1d8: {  	s25 =	sshrl.u32 s10, $0x3;
	[sflag:s5] =	ssyncset.done $0x0  }
0x1d9: {  	s11 =	sadd.s32 s2, s25;
	[sflag:s5] =	ssyncadd.s32 $0xFFFF4000  }
0x1da: {  	[tilespmem:s8], [sflag:$0x1] =	stream.linear.gather [hbm4b:s11+s3], $0xC000, $0x38;
	[tilespmem:$0x18080] =	vst v63  }
0x1db: {  	s26 =	rddreg [dreg:$0x11]  }
0x1dc: {  	[hbm4b:s26+s3] =	stream.linear.scatter [tilespmem:s6], [sflag:$0x4], $0xC000, $0x38;
	[tilespmem:$0x18080] =	vst v63  }
0x1dd: {  	_ =	swait.ge [sflag:s9], $0xC000  }
0x1de: {  	[sflag:s9] =	ssyncset.done $0x0  }
0x1df: {  	[sflag:s9] =	ssyncadd.s32 $0xFFFF4000  }
0x1e0: {  	s28 =	sadd.s32 $0xC000, s10;
	_ =	swait.ge [sflag:s4], $0xC000  }
0x1e1: {  	s9 =	sshrl.u32 s28, $0x3;
	[sflag:s4] =	ssyncset.done $0x0  }
0x1e2: {  	s29 =	sadd.s32 s2, s9;
	[sflag:s4] =	ssyncadd.s32 $0xFFFF4000  }
0x1e3: {  	[tilespmem:s6], [sflag:$0x2] =	stream.linear.gather [hbm4b:s29+s3], $0xC000, $0x38;
	[tilespmem:$0x18080] =	vst v63  }
0x1e4: {  	s30 =	rddreg [dreg:$0x12]  }
0x1e5: {  	[hbm4b:s30+s3] =	stream.linear.scatter [tilespmem:s8], [sflag:$0x3], $0xC000, $0x38;
	[tilespmem:$0x18080] =	vst v63  }
0x1e6: {  	_ =	swait.ge [sflag:s7], $0xC000  }
0x1e7: {  	[sflag:s7] =	ssyncset.done $0x0  }
0x1e8: {  	s31 =	rddreg [dreg:$0x13];
	[sflag:s7] =	ssyncadd.s32 $0xFFFF4000  }
0x1e9: {  	[hbm4b:s31+s3] =	stream.linear.scatter [tilespmem:s6], [sflag:$0x4], $0xC000, $0x38;
	[tilespmem:$0x18080] =	vst v63  }
0x1ea: {  	_ =	swait.ge [sflag:s5], $0xC000  }
0x1eb: {  	[sflag:s5] =	ssyncset.done $0x0  }
0x1ec: {  	[sflag:s5] =	ssyncadd.s32 $0xFFFF4000  }
0x1ed: {  	_ =	swait.ge [sflag:s4], $0xC000  }
0x1ee: {  	[sflag:s4] =	ssyncset.done $0x0  }
0x1ef: {  	[sflag:s4] =	ssyncadd.s32 $0xFFFF4000  }
0x1f0: {  	_ =	sfence.sel $0x180000  }
0x1f1: {  	[bflag:$0x0] =	sbarrier.arrive $0xFFFF  }
0x1f2: {  	p0 =	sne.s32 s0, $0x0;
	_ =	strace $0x90000047  }
0x1f3: {  	s0 =	sadd.s32 @!p0 $0x100000, s1;
	[bflag:$0x2] =	sbarrier.arrive $0xFFFF  }
0x1f4: {  	[sflag:s0] =	ssyncadd.tile.s32 @!p0 $0x1;
	_ =	shalt  }
.Lfunc_end2:
_tile_overlayer_lowered:
.L_overlay_start_2:
0x1f5: {  	(tag) =	ssettag $0x2  }
0x1f6: {  	s0 =	rddreg [dreg:$0x0];
	s2 =	stileid.u32  }
0x1f7: {  	s1 =	rddreg [dreg:$0x1];
	p0 =	sne.s32 s2, $0x0  }
0x1f8: {  	s3 =	rddreg [dreg:$0x2];
	[bflag:$0x3] =	sbarrier.arrive $0xFFFF;
	s2 =	simm.s32 @!p0 $0x1C05  }
0x1f9: {  	[timem:s3], [sflag:s2] =	dma.local @!p0 [hbm:s0], s1  }
0x1fa: {  	s0 =	simm.s32 @!p0 $0x5  }
0x1fb: {  	_ =	swait.ge @!p0 [sflag:s0], s1  }
0x1fc: {  	s1 =	ssub.s32 @!p0 $0x0, s1;
	[sflag:s0] =	ssyncset.done @!p0 $0x0  }
0x1fd: {  	[sflag:s0] =	ssyncadd.s32 @!p0 s1  }
0x1fe: {  	[bflag:$0x3] =	sbarrier.arrive $0xFFFF  }
0x1ff: {  	_ =	shalt  }

</sc_bundles>
